<compile_context>
chip_gen: v7x
topology: tpu7x:2x2x1
jax: 0.10.2.dev20260603
libtpu: 0.0.44.dev20260713+nightly
codegen_flags: <defaults>
</compile_context>

<pallas_src>
import functools

import jax
import jax.numpy as jnp
import numpy as np
from jax import lax
from jax.experimental import pallas as pl
from jax.experimental.pallas import tpu as pltpu

_MIN_RADIUS = 0.05
_MAX_RADIUS = 0.3
_K = 16
_DENOM = 4.0 / 3.0 * np.pi * _MIN_RADIUS ** 3 + 1e-08


def _dist_from_centers(pts, cx, cy, cz):
    px = pts[0:1, :]
    py = pts[1:2, :]
    pz = pts[2:3, :]
    dx = px - cx
    dy = py - cy
    dz = pz - cz
    d2 = (dx * dx + dy * dy) + dz * dz
    return jnp.sqrt(d2)


def _counts_body(pts_ref, ci_ref, counts_ref, ctr_ref, dmax_ref):
    n = pts_ref.shape[2]
    mb = ci_ref.shape[1]
    pts = pts_ref[0]
    ci = ci_ref[0, :, 0]
    iota_n = lax.broadcasted_iota(jnp.int32, (mb, n), 1)
    eq = iota_n == ci[:, None]
    zero = jnp.float32(0.0)
    cx = jnp.sum(jnp.where(eq, pts[0:1, :], zero), axis=-1, keepdims=True)
    cy = jnp.sum(jnp.where(eq, pts[1:2, :], zero), axis=-1, keepdims=True)
    cz = jnp.sum(jnp.where(eq, pts[2:3, :], zero), axis=-1, keepdims=True)
    dist = _dist_from_centers(pts, cx, cy, cz)
    mask = (dist < jnp.float32(_MIN_RADIUS)).astype(jnp.float32)
    counts = jnp.sum(mask, axis=-1, keepdims=True)
    counts_ref[0, :, 0:1] = counts
    ctr_ref[0, :, 0:1] = cx
    ctr_ref[0, :, 1:2] = cy
    ctr_ref[0, :, 2:3] = cz
    block_dmax = jnp.max(counts / jnp.float32(_DENOM))
    first = (pl.program_id(0) == 0) & (pl.program_id(1) == 0)

    @pl.when(first)
    def _init():
        dmax_ref[0, 0] = block_dmax

    @pl.when(jnp.logical_not(first))
    def _acc():
        dmax_ref[0, 0] = jnp.maximum(dmax_ref[0, 0], block_dmax)


def _topk_body(pts_ref, ctr_ref, cnt_ref, dmax_ref, out_ref):
    n = pts_ref.shape[2]
    mb = cnt_ref.shape[1]
    cx = ctr_ref[0, :, 0:1]
    cy = ctr_ref[0, :, 1:2]
    cz = ctr_ref[0, :, 2:3]
    dist = _dist_from_centers(pts_ref[0], cx, cy, cz)
    counts = cnt_ref[0, :, 0:1]
    density = counts / jnp.float32(_DENOM)
    dmax = dmax_ref[0, 0] + jnp.float32(1e-8)
    radii = jnp.float32(_MIN_RADIUS) + jnp.float32(_MAX_RADIUS - _MIN_RADIUS) * (
        jnp.float32(1.0) - density / dmax
    )
    d = jnp.where(dist < radii, dist, jnp.float32(1e10))
    iota_f = lax.broadcasted_iota(jnp.int32, (mb, n), 1).astype(jnp.float32)
    big_f = jnp.float32(n)
    boff = (pl.program_id(0) * n).astype(jnp.float32)
    for k in range(_K):
        m = jnp.min(d, axis=-1, keepdims=True)
        idx_f = jnp.min(jnp.where(d == m, iota_f, big_f), axis=-1)
        out_ref[0, :, k] = (idx_f + boff).astype(jnp.int32)
        d = jnp.where(iota_f == idx_f[:, None], jnp.float32(np.inf), d)


def _counts_call(pts_t, ci3, mb):
    b, _, n = pts_t.shape
    m = ci3.shape[1]
    return pl.pallas_call(
        _counts_body,
        grid=(b, m // mb),
        in_specs=[
            pl.BlockSpec((1, 3, n), lambda bi, mi: (bi, 0, 0)),
            pl.BlockSpec((1, mb, 1), lambda bi, mi: (bi, mi, 0)),
        ],
        out_specs=[
            pl.BlockSpec((1, mb, 1), lambda bi, mi: (bi, mi, 0)),
            pl.BlockSpec((1, mb, 3), lambda bi, mi: (bi, mi, 0)),
            pl.BlockSpec(memory_space=pltpu.SMEM, index_map=lambda bi, mi: (0, 0)),
        ],
        out_shape=[
            jax.ShapeDtypeStruct((b, m, 1), jnp.float32),
            jax.ShapeDtypeStruct((b, m, 3), jnp.float32),
            jax.ShapeDtypeStruct((1, 1), jnp.float32),
        ],
    )(pts_t, ci3)


def _topk_call(pts_t, ctrs, counts3, dmax_arr, mb):
    b, _, n = pts_t.shape
    m = ctrs.shape[1]
    return pl.pallas_call(
        _topk_body,
        grid=(b, m // mb),
        in_specs=[
            pl.BlockSpec((1, 3, n), lambda bi, mi: (bi, 0, 0)),
            pl.BlockSpec((1, mb, 3), lambda bi, mi: (bi, mi, 0)),
            pl.BlockSpec((1, mb, 1), lambda bi, mi: (bi, mi, 0)),
            pl.BlockSpec(memory_space=pltpu.SMEM),
        ],
        out_specs=pl.BlockSpec((1, mb, _K), lambda bi, mi: (bi, mi, 0)),
        out_shape=jax.ShapeDtypeStruct((b, m, _K), jnp.int32),
    )(pts_t, ctrs, counts3, dmax_arr)


def _sc_gather(table, gidx, chunk=512):
    from jax.experimental.pallas import tpu_sc as plsc

    info = plsc.get_sparse_core_info()
    nw = info.num_cores * info.num_subcores
    btot, c = gidx.shape[0], table.shape[1]
    b_per_w = btot // nw
    nch = b_per_w // chunk
    mesh = plsc.VectorSubcoreMesh(core_axis_name="c", subcore_axis_name="s")

    @functools.partial(
        pl.kernel,
        mesh=mesh,
        out_type=jax.ShapeDtypeStruct((btot, c), jnp.float32),
        scratch_types=[
            pltpu.VMEM((chunk,), jnp.int32),
            pltpu.VMEM((chunk, c), jnp.float32),
            pltpu.SemaphoreType.DMA,
        ],
        compiler_params=pltpu.CompilerParams(use_tc_tiling_on_sc=False),
    )
    def gather_k(table_hbm, idx_hbm, out_hbm, idx_v, rows_v, sem):
        wid = lax.axis_index("s") * info.num_cores + lax.axis_index("c")
        base = wid * b_per_w
        for j in range(nch):
            off = base + j * chunk
            pltpu.sync_copy(idx_hbm.at[pl.ds(off, chunk)], idx_v)
            pltpu.async_copy(table_hbm.at[idx_v], rows_v, sem).wait()
            pltpu.sync_copy(rows_v, out_hbm.at[pl.ds(off, chunk)])

    return gather_k(table, gidx)


def kernel(points, features, center_indices):
    b, n, _ = points.shape
    m = center_indices.shape[1]
    c = features.shape[2]

    pts_t = jnp.transpose(points, (0, 2, 1))
    ci3 = center_indices.reshape(b, m, 1)

    counts3, ctrs, dmax = _counts_call(pts_t, ci3, mb=128)

    knn = _topk_call(pts_t, ctrs, counts3, dmax, mb=128)

    gidx = knn.reshape(-1)
    table = features.reshape(b * n, c)
    out = _sc_gather(table, gidx)
    return out.reshape(b, m, _K, c)

# --- scband reference (transcript-rebuilt; emitter-appended) ---
"""Pipeline reference for scband-dynamic-ball-query-18262200942681 (READ-ONLY COPY).

The authoritative reference and input builder live on the scoring server;
editing this copy changes nothing except your own understanding.
"""

import jax, jax.numpy as jnp
import numpy as np

MIN_RADIUS = 0.05
MAX_RADIUS = 0.3
NUM_NEIGHBORS = 16


def setup_inputs(seed: int = 0) -> dict:
    key = jax.random.key(seed)
    k1, k2, k3 = jax.random.split(key, 3)
    B, N, M, C = 2, 8192, 2048, 64
    points = jax.random.uniform(k1, (B, N, 3), dtype=jnp.float32)
    features = jax.random.normal(k2, (B, N, C), dtype=jnp.float32)
    center_indices = jax.random.randint(k3, (B, M), 0, N, dtype=jnp.int32)
    return {"points": points, "features": features, "center_indices": center_indices}


def reference(points, features, center_indices):
    B, N, _ = points.shape
    M = center_indices.shape[1]
    # gather centers: points[b, center_indices[b]]
    centers = jnp.take_along_axis(
        points, jnp.broadcast_to(center_indices[:, :, None], (B, M, 3)), axis=1
    )  # [B, M, 3]
    # full pairwise distances [B, M, N] (original computes same thing in blocks)
    diff = points[:, None, :, :] - centers[:, :, None, :]
    dist = jnp.linalg.norm(diff, axis=-1)
    # density-adaptive radius
    init_mask = dist < MIN_RADIUS
    init_counts = init_mask.sum(axis=-1, keepdims=True).astype(jnp.float32)
    density = init_counts / (4.0 / 3.0 * np.pi * MIN_RADIUS ** 3 + 1e-08)
    density_max = density.max() + 1e-08
    radii = MIN_RADIUS + (MAX_RADIUS - MIN_RADIUS) * (1.0 - density / density_max)
    mask = dist < radii
    dist = jnp.where(mask, dist, 1e10)
    # smallest-k -> top_k on negated distances
    _, knn_indices = jax.lax.top_k(-dist, NUM_NEIGHBORS)  # [B, M, K]
    knn_indices = jnp.clip(knn_indices, 0, features.shape[1] - 1)
    batch_idx = jnp.arange(B)[:, None, None]
    neighbor_features = features[batch_idx, knn_indices]  # [B, M, K, C]
    return neighbor_features

if __name__ == "__main__":
    import jax
    _d = setup_inputs()
    print(jax.jit(kernel)(*tuple(_d.values())))

</pallas_src>

<mosaic_0001>
#map = affine_map<(d0, d1) -> (0, 0)>
#map1 = affine_map<(d0, d1) -> (0)>
module attributes {stable_mosaic.version = 14 : i64} {
  func.func @gather_k(%arg0: i32, %arg1: i32, %arg2: memref<16384x64xf32, #tpu.memory_space<hbm>>, %arg3: memref<65536xi32, #tpu.memory_space<hbm>>, %arg4: memref<65536x64xf32, #tpu.memory_space<hbm>>, %arg5: memref<512xi32, #tpu.memory_space<vmem>>, %arg6: memref<512x64xf32, #tpu.memory_space<vmem>>, %arg7: memref<!tpu.dma_semaphore, #tpu.memory_space<semaphore_mem>>) attributes {dimension_semantics = [#tpu.dimension_semantics<core_parallel>, #tpu.dimension_semantics<subcore_parallel>], iteration_bounds = array<i64: 2, 16>, scalar_prefetch = 0 : i64, scratch_operands = 3 : i64, tpu.core_type = #tpu.core_type<sc_vector_subcore>, window_params = [{transform_indices = #map}, {transform_indices = #map1}, {transform_indices = #map}]} {
    %mul3A = arith.constant 2 : i32
    %mul3A_0 = arith.muli %arg1, %mul3A : i32
    %add3A = arith.addi %mul3A_0, %arg0 : i32
    %mul3A_1 = arith.constant 2048 : i32
    %mul3A_2 = arith.muli %add3A, %mul3A_1 : i32
    %add3A_3 = arith.constant 0 : i32
    %add3A_4 = arith.addi %mul3A_2, %add3A_3 : i32
    "tpu.region"() ({
      %run_scoped3A = tpu.sem_alloc : memref<!tpu.dma_semaphore, #tpu.memory_space<semaphore_mem>>
      %dma_start3A_33 = tpu.memref_slice %arg3[%add3A_4] : memref<65536xi32, #tpu.memory_space<hbm>> -> memref<512xi32, #tpu.memory_space<hbm>>
      %dma_start3A_34 = tpu.memref_slice %arg3[%add3A_4] : memref<65536xi32, #tpu.memory_space<hbm>> -> memref<512xi32, #tpu.memory_space<hbm>>
      tpu.enqueue_dma source(%dma_start3A_34 : memref<512xi32, #tpu.memory_space<hbm>>) target(%arg5 : memref<512xi32, #tpu.memory_space<vmem>>) target_semaphore(%run_scoped3A : memref<!tpu.dma_semaphore, #tpu.memory_space<semaphore_mem>>)
      %dma_wait3A_35 = tpu.memref_slice %arg3[%add3A_4] : memref<65536xi32, #tpu.memory_space<hbm>> -> memref<512xi32, #tpu.memory_space<hbm>>
      %dma_wait3A_36 = tpu.memref_slice %arg3[%add3A_4] : memref<65536xi32, #tpu.memory_space<hbm>> -> memref<512xi32, #tpu.memory_space<hbm>>
      tpu.wait_dma2 semaphore(%run_scoped3A : memref<!tpu.dma_semaphore, #tpu.memory_space<semaphore_mem>>) src(%dma_wait3A_36 : memref<512xi32, #tpu.memory_space<hbm>>) dst(%arg5 : memref<512xi32, #tpu.memory_space<vmem>>)
      tpu.yield
    }) : () -> ()
    %dma_start3A = arith.constant 0 : i32
    %dma_start3A_5 = arith.constant 0 : i32
    %dma_start3A_6 = tpu.memref_slice %arg2[%dma_start3A, %dma_start3A_5] : memref<16384x64xf32, #tpu.memory_space<hbm>> -> memref<16384x64xf32, #tpu.memory_space<hbm>>
    tpu.enqueue_indirect_dma source(%dma_start3A_6 : memref<16384x64xf32, #tpu.memory_space<hbm>>) target(%arg6 : memref<512x64xf32, #tpu.memory_space<vmem>>) offsets(%arg5 : memref<512xi32, #tpu.memory_space<vmem>>) semaphore(%arg7 : memref<!tpu.dma_semaphore, #tpu.memory_space<semaphore_mem>>)
    %dma_wait3A = arith.constant 0 : i32
    %dma_wait3A_7 = arith.constant 0 : i32
    %dma_wait3A_8 = tpu.memref_slice %arg2[%dma_wait3A, %dma_wait3A_7] : memref<16384x64xf32, #tpu.memory_space<hbm>> -> memref<16384x64xf32, #tpu.memory_space<hbm>>
    tpu.wait_indirect_dma semaphore(%arg7 : memref<!tpu.dma_semaphore, #tpu.memory_space<semaphore_mem>>) src(%dma_wait3A_8 : memref<16384x64xf32, #tpu.memory_space<hbm>>) dst(%arg6 : memref<512x64xf32, #tpu.memory_space<vmem>>)
    "tpu.region"() ({
      %run_scoped3A = tpu.sem_alloc : memref<!tpu.dma_semaphore, #tpu.memory_space<semaphore_mem>>
      %dma_start3A_33 = arith.constant 0 : i32
      %dma_start3A_34 = tpu.memref_slice %arg4[%add3A_4, %dma_start3A_33] : memref<65536x64xf32, #tpu.memory_space<hbm>> -> memref<512x64xf32, #tpu.memory_space<hbm>>
      %dma_start3A_35 = arith.constant 0 : i32
      %dma_start3A_36 = tpu.memref_slice %arg4[%add3A_4, %dma_start3A_35] : memref<65536x64xf32, #tpu.memory_space<hbm>> -> memref<512x64xf32, #tpu.memory_space<hbm>>
      tpu.enqueue_dma source(%arg6 : memref<512x64xf32, #tpu.memory_space<vmem>>) target(%dma_start3A_36 : memref<512x64xf32, #tpu.memory_space<hbm>>) target_semaphore(%run_scoped3A : memref<!tpu.dma_semaphore, #tpu.memory_space<semaphore_mem>>)
      %dma_wait3A_37 = arith.constant 0 : i32
      %dma_wait3A_38 = tpu.memref_slice %arg4[%add3A_4, %dma_wait3A_37] : memref<65536x64xf32, #tpu.memory_space<hbm>> -> memref<512x64xf32, #tpu.memory_space<hbm>>
      %dma_wait3A_39 = arith.constant 0 : i32
      %dma_wait3A_40 = tpu.memref_slice %arg4[%add3A_4, %dma_wait3A_39] : memref<65536x64xf32, #tpu.memory_space<hbm>> -> memref<512x64xf32, #tpu.memory_space<hbm>>
      tpu.wait_dma2 semaphore(%run_scoped3A : memref<!tpu.dma_semaphore, #tpu.memory_space<semaphore_mem>>) src(%arg6 : memref<512x64xf32, #tpu.memory_space<vmem>>) dst(%dma_wait3A_40 : memref<512x64xf32, #tpu.memory_space<hbm>>)
      tpu.yield
    }) : () -> ()
    %add3A_9 = arith.constant 512 : i32
    %add3A_10 = arith.addi %mul3A_2, %add3A_9 : i32
    "tpu.region"() ({
      %run_scoped3A = tpu.sem_alloc : memref<!tpu.dma_semaphore, #tpu.memory_space<semaphore_mem>>
      %dma_start3A_33 = tpu.memref_slice %arg3[%add3A_10] : memref<65536xi32, #tpu.memory_space<hbm>> -> memref<512xi32, #tpu.memory_space<hbm>>
      %dma_start3A_34 = tpu.memref_slice %arg3[%add3A_10] : memref<65536xi32, #tpu.memory_space<hbm>> -> memref<512xi32, #tpu.memory_space<hbm>>
      tpu.enqueue_dma source(%dma_start3A_34 : memref<512xi32, #tpu.memory_space<hbm>>) target(%arg5 : memref<512xi32, #tpu.memory_space<vmem>>) target_semaphore(%run_scoped3A : memref<!tpu.dma_semaphore, #tpu.memory_space<semaphore_mem>>)
      %dma_wait3A_35 = tpu.memref_slice %arg3[%add3A_10] : memref<65536xi32, #tpu.memory_space<hbm>> -> memref<512xi32, #tpu.memory_space<hbm>>
      %dma_wait3A_36 = tpu.memref_slice %arg3[%add3A_10] : memref<65536xi32, #tpu.memory_space<hbm>> -> memref<512xi32, #tpu.memory_space<hbm>>
      tpu.wait_dma2 semaphore(%run_scoped3A : memref<!tpu.dma_semaphore, #tpu.memory_space<semaphore_mem>>) src(%dma_wait3A_36 : memref<512xi32, #tpu.memory_space<hbm>>) dst(%arg5 : memref<512xi32, #tpu.memory_space<vmem>>)
      tpu.yield
    }) : () -> ()
    %dma_start3A_11 = arith.constant 0 : i32
    %dma_start3A_12 = arith.constant 0 : i32
    %dma_start3A_13 = tpu.memref_slice %arg2[%dma_start3A_11, %dma_start3A_12] : memref<16384x64xf32, #tpu.memory_space<hbm>> -> memref<16384x64xf32, #tpu.memory_space<hbm>>
    tpu.enqueue_indirect_dma source(%dma_start3A_13 : memref<16384x64xf32, #tpu.memory_space<hbm>>) target(%arg6 : memref<512x64xf32, #tpu.memory_space<vmem>>) offsets(%arg5 : memref<512xi32, #tpu.memory_space<vmem>>) semaphore(%arg7 : memref<!tpu.dma_semaphore, #tpu.memory_space<semaphore_mem>>)
    %dma_wait3A_14 = arith.constant 0 : i32
    %dma_wait3A_15 = arith.constant 0 : i32
    %dma_wait3A_16 = tpu.memref_slice %arg2[%dma_wait3A_14, %dma_wait3A_15] : memref<16384x64xf32, #tpu.memory_space<hbm>> -> memref<16384x64xf32, #tpu.memory_space<hbm>>
    tpu.wait_indirect_dma semaphore(%arg7 : memref<!tpu.dma_semaphore, #tpu.memory_space<semaphore_mem>>) src(%dma_wait3A_16 : memref<16384x64xf32, #tpu.memory_space<hbm>>) dst(%arg6 : memref<512x64xf32, #tpu.memory_space<vmem>>)
    "tpu.region"() ({
      %run_scoped3A = tpu.sem_alloc : memref<!tpu.dma_semaphore, #tpu.memory_space<semaphore_mem>>
      %dma_start3A_33 = arith.constant 0 : i32
      %dma_start3A_34 = tpu.memref_slice %arg4[%add3A_10, %dma_start3A_33] : memref<65536x64xf32, #tpu.memory_space<hbm>> -> memref<512x64xf32, #tpu.memory_space<hbm>>
      %dma_start3A_35 = arith.constant 0 : i32
      %dma_start3A_36 = tpu.memref_slice %arg4[%add3A_10, %dma_start3A_35] : memref<65536x64xf32, #tpu.memory_space<hbm>> -> memref<512x64xf32, #tpu.memory_space<hbm>>
      tpu.enqueue_dma source(%arg6 : memref<512x64xf32, #tpu.memory_space<vmem>>) target(%dma_start3A_36 : memref<512x64xf32, #tpu.memory_space<hbm>>) target_semaphore(%run_scoped3A : memref<!tpu.dma_semaphore, #tpu.memory_space<semaphore_mem>>)
      %dma_wait3A_37 = arith.constant 0 : i32
      %dma_wait3A_38 = tpu.memref_slice %arg4[%add3A_10, %dma_wait3A_37] : memref<65536x64xf32, #tpu.memory_space<hbm>> -> memref<512x64xf32, #tpu.memory_space<hbm>>
      %dma_wait3A_39 = arith.constant 0 : i32
      %dma_wait3A_40 = tpu.memref_slice %arg4[%add3A_10, %dma_wait3A_39] : memref<65536x64xf32, #tpu.memory_space<hbm>> -> memref<512x64xf32, #tpu.memory_space<hbm>>
      tpu.wait_dma2 semaphore(%run_scoped3A : memref<!tpu.dma_semaphore, #tpu.memory_space<semaphore_mem>>) src(%arg6 : memref<512x64xf32, #tpu.memory_space<vmem>>) dst(%dma_wait3A_40 : memref<512x64xf32, #tpu.memory_space<hbm>>)
      tpu.yield
    }) : () -> ()
    %add3A_17 = arith.constant 1024 : i32
    %add3A_18 = arith.addi %mul3A_2, %add3A_17 : i32
    "tpu.region"() ({
      %run_scoped3A = tpu.sem_alloc : memref<!tpu.dma_semaphore, #tpu.memory_space<semaphore_mem>>
      %dma_start3A_33 = tpu.memref_slice %arg3[%add3A_18] : memref<65536xi32, #tpu.memory_space<hbm>> -> memref<512xi32, #tpu.memory_space<hbm>>
      %dma_start3A_34 = tpu.memref_slice %arg3[%add3A_18] : memref<65536xi32, #tpu.memory_space<hbm>> -> memref<512xi32, #tpu.memory_space<hbm>>
      tpu.enqueue_dma source(%dma_start3A_34 : memref<512xi32, #tpu.memory_space<hbm>>) target(%arg5 : memref<512xi32, #tpu.memory_space<vmem>>) target_semaphore(%run_scoped3A : memref<!tpu.dma_semaphore, #tpu.memory_space<semaphore_mem>>)
      %dma_wait3A_35 = tpu.memref_slice %arg3[%add3A_18] : memref<65536xi32, #tpu.memory_space<hbm>> -> memref<512xi32, #tpu.memory_space<hbm>>
      %dma_wait3A_36 = tpu.memref_slice %arg3[%add3A_18] : memref<65536xi32, #tpu.memory_space<hbm>> -> memref<512xi32, #tpu.memory_space<hbm>>
      tpu.wait_dma2 semaphore(%run_scoped3A : memref<!tpu.dma_semaphore, #tpu.memory_space<semaphore_mem>>) src(%dma_wait3A_36 : memref<512xi32, #tpu.memory_space<hbm>>) dst(%arg5 : memref<512xi32, #tpu.memory_space<vmem>>)
      tpu.yield
    }) : () -> ()
    %dma_start3A_19 = arith.constant 0 : i32
    %dma_start3A_20 = arith.constant 0 : i32
    %dma_start3A_21 = tpu.memref_slice %arg2[%dma_start3A_19, %dma_start3A_20] : memref<16384x64xf32, #tpu.memory_space<hbm>> -> memref<16384x64xf32, #tpu.memory_space<hbm>>
    tpu.enqueue_indirect_dma source(%dma_start3A_21 : memref<16384x64xf32, #tpu.memory_space<hbm>>) target(%arg6 : memref<512x64xf32, #tpu.memory_space<vmem>>) offsets(%arg5 : memref<512xi32, #tpu.memory_space<vmem>>) semaphore(%arg7 : memref<!tpu.dma_semaphore, #tpu.memory_space<semaphore_mem>>)
    %dma_wait3A_22 = arith.constant 0 : i32
    %dma_wait3A_23 = arith.constant 0 : i32
    %dma_wait3A_24 = tpu.memref_slice %arg2[%dma_wait3A_22, %dma_wait3A_23] : memref<16384x64xf32, #tpu.memory_space<hbm>> -> memref<16384x64xf32, #tpu.memory_space<hbm>>
    tpu.wait_indirect_dma semaphore(%arg7 : memref<!tpu.dma_semaphore, #tpu.memory_space<semaphore_mem>>) src(%dma_wait3A_24 : memref<16384x64xf32, #tpu.memory_space<hbm>>) dst(%arg6 : memref<512x64xf32, #tpu.memory_space<vmem>>)
    "tpu.region"() ({
      %run_scoped3A = tpu.sem_alloc : memref<!tpu.dma_semaphore, #tpu.memory_space<semaphore_mem>>
      %dma_start3A_33 = arith.constant 0 : i32
      %dma_start3A_34 = tpu.memref_slice %arg4[%add3A_18, %dma_start3A_33] : memref<65536x64xf32, #tpu.memory_space<hbm>> -> memref<512x64xf32, #tpu.memory_space<hbm>>
      %dma_start3A_35 = arith.constant 0 : i32
      %dma_start3A_36 = tpu.memref_slice %arg4[%add3A_18, %dma_start3A_35] : memref<65536x64xf32, #tpu.memory_space<hbm>> -> memref<512x64xf32, #tpu.memory_space<hbm>>
      tpu.enqueue_dma source(%arg6 : memref<512x64xf32, #tpu.memory_space<vmem>>) target(%dma_start3A_36 : memref<512x64xf32, #tpu.memory_space<hbm>>) target_semaphore(%run_scoped3A : memref<!tpu.dma_semaphore, #tpu.memory_space<semaphore_mem>>)
      %dma_wait3A_37 = arith.constant 0 : i32
      %dma_wait3A_38 = tpu.memref_slice %arg4[%add3A_18, %dma_wait3A_37] : memref<65536x64xf32, #tpu.memory_space<hbm>> -> memref<512x64xf32, #tpu.memory_space<hbm>>
      %dma_wait3A_39 = arith.constant 0 : i32
      %dma_wait3A_40 = tpu.memref_slice %arg4[%add3A_18, %dma_wait3A_39] : memref<65536x64xf32, #tpu.memory_space<hbm>> -> memref<512x64xf32, #tpu.memory_space<hbm>>
      tpu.wait_dma2 semaphore(%run_scoped3A : memref<!tpu.dma_semaphore, #tpu.memory_space<semaphore_mem>>) src(%arg6 : memref<512x64xf32, #tpu.memory_space<vmem>>) dst(%dma_wait3A_40 : memref<512x64xf32, #tpu.memory_space<hbm>>)
      tpu.yield
    }) : () -> ()
    %add3A_25 = arith.constant 1536 : i32
    %add3A_26 = arith.addi %mul3A_2, %add3A_25 : i32
    "tpu.region"() ({
      %run_scoped3A = tpu.sem_alloc : memref<!tpu.dma_semaphore, #tpu.memory_space<semaphore_mem>>
      %dma_start3A_33 = tpu.memref_slice %arg3[%add3A_26] : memref<65536xi32, #tpu.memory_space<hbm>> -> memref<512xi32, #tpu.memory_space<hbm>>
      %dma_start3A_34 = tpu.memref_slice %arg3[%add3A_26] : memref<65536xi32, #tpu.memory_space<hbm>> -> memref<512xi32, #tpu.memory_space<hbm>>
      tpu.enqueue_dma source(%dma_start3A_34 : memref<512xi32, #tpu.memory_space<hbm>>) target(%arg5 : memref<512xi32, #tpu.memory_space<vmem>>) target_semaphore(%run_scoped3A : memref<!tpu.dma_semaphore, #tpu.memory_space<semaphore_mem>>)
      %dma_wait3A_35 = tpu.memref_slice %arg3[%add3A_26] : memref<65536xi32, #tpu.memory_space<hbm>> -> memref<512xi32, #tpu.memory_space<hbm>>
      %dma_wait3A_36 = tpu.memref_slice %arg3[%add3A_26] : memref<65536xi32, #tpu.memory_space<hbm>> -> memref<512xi32, #tpu.memory_space<hbm>>
      tpu.wait_dma2 semaphore(%run_scoped3A : memref<!tpu.dma_semaphore, #tpu.memory_space<semaphore_mem>>) src(%dma_wait3A_36 : memref<512xi32, #tpu.memory_space<hbm>>) dst(%arg5 : memref<512xi32, #tpu.memory_space<vmem>>)
      tpu.yield
    }) : () -> ()
    %dma_start3A_27 = arith.constant 0 : i32
    %dma_start3A_28 = arith.constant 0 : i32
    %dma_start3A_29 = tpu.memref_slice %arg2[%dma_start3A_27, %dma_start3A_28] : memref<16384x64xf32, #tpu.memory_space<hbm>> -> memref<16384x64xf32, #tpu.memory_space<hbm>>
    tpu.enqueue_indirect_dma source(%dma_start3A_29 : memref<16384x64xf32, #tpu.memory_space<hbm>>) target(%arg6 : memref<512x64xf32, #tpu.memory_space<vmem>>) offsets(%arg5 : memref<512xi32, #tpu.memory_space<vmem>>) semaphore(%arg7 : memref<!tpu.dma_semaphore, #tpu.memory_space<semaphore_mem>>)
    %dma_wait3A_30 = arith.constant 0 : i32
    %dma_wait3A_31 = arith.constant 0 : i32
    %dma_wait3A_32 = tpu.memref_slice %arg2[%dma_wait3A_30, %dma_wait3A_31] : memref<16384x64xf32, #tpu.memory_space<hbm>> -> memref<16384x64xf32, #tpu.memory_space<hbm>>
    tpu.wait_indirect_dma semaphore(%arg7 : memref<!tpu.dma_semaphore, #tpu.memory_space<semaphore_mem>>) src(%dma_wait3A_32 : memref<16384x64xf32, #tpu.memory_space<hbm>>) dst(%arg6 : memref<512x64xf32, #tpu.memory_space<vmem>>)
    "tpu.region"() ({
      %run_scoped3A = tpu.sem_alloc : memref<!tpu.dma_semaphore, #tpu.memory_space<semaphore_mem>>
      %dma_start3A_33 = arith.constant 0 : i32
      %dma_start3A_34 = tpu.memref_slice %arg4[%add3A_26, %dma_start3A_33] : memref<65536x64xf32, #tpu.memory_space<hbm>> -> memref<512x64xf32, #tpu.memory_space<hbm>>
      %dma_start3A_35 = arith.constant 0 : i32
      %dma_start3A_36 = tpu.memref_slice %arg4[%add3A_26, %dma_start3A_35] : memref<65536x64xf32, #tpu.memory_space<hbm>> -> memref<512x64xf32, #tpu.memory_space<hbm>>
      tpu.enqueue_dma source(%arg6 : memref<512x64xf32, #tpu.memory_space<vmem>>) target(%dma_start3A_36 : memref<512x64xf32, #tpu.memory_space<hbm>>) target_semaphore(%run_scoped3A : memref<!tpu.dma_semaphore, #tpu.memory_space<semaphore_mem>>)
      %dma_wait3A_37 = arith.constant 0 : i32
      %dma_wait3A_38 = tpu.memref_slice %arg4[%add3A_26, %dma_wait3A_37] : memref<65536x64xf32, #tpu.memory_space<hbm>> -> memref<512x64xf32, #tpu.memory_space<hbm>>
      %dma_wait3A_39 = arith.constant 0 : i32
      %dma_wait3A_40 = tpu.memref_slice %arg4[%add3A_26, %dma_wait3A_39] : memref<65536x64xf32, #tpu.memory_space<hbm>> -> memref<512x64xf32, #tpu.memory_space<hbm>>
      tpu.wait_dma2 semaphore(%run_scoped3A : memref<!tpu.dma_semaphore, #tpu.memory_space<semaphore_mem>>) src(%arg6 : memref<512x64xf32, #tpu.memory_space<vmem>>) dst(%dma_wait3A_40 : memref<512x64xf32, #tpu.memory_space<hbm>>)
      tpu.yield
    }) : () -> ()
    return
  }
}

module attributes {stable_mosaic.version = 14 : i64} {
  func.func @_topk_body(%arg0: i32, %arg1: i32, %arg2: memref<1x3x8192xf32, #tpu.memory_space<vmem>>, %arg3: memref<1x128x3xf32, #tpu.memory_space<vmem>>, %arg4: memref<1x128x1xf32, #tpu.memory_space<vmem>>, %arg5: memref<1x1xf32, #tpu.memory_space<smem>>, %arg6: memref<1x128x16xi32, #tpu.memory_space<vmem>>) attributes {dimension_semantics = [#tpu.dimension_semantics<arbitrary>, #tpu.dimension_semantics<arbitrary>], iteration_bounds = array<i64: 2, 16>, scalar_prefetch = 0 : i64, scratch_operands = 0 : i64, tpu.core_type = #tpu.core_type<tc>, window_params = [{transform_indices = @transform_0, window_bounds = array<i64: 1, 3, 8192>}, {transform_indices = @transform_1, window_bounds = array<i64: 1, 128, 3>}, {transform_indices = @transform_2, window_bounds = array<i64: 1, 128, 1>}, {transform_indices = @transform_3, window_bounds = array<i64: 1, 1>}, {transform_indices = @transform_4, window_bounds = array<i64: 1, 128, 16>}]} {
    %get3A = arith.constant 0 : index
    %get3A_0 = arith.constant 0 : index
    %get3A_1 = arith.constant 0 : index
    %get3A_2 = vector.load %arg3[%get3A, %get3A_0, %get3A_1] : memref<1x128x3xf32, #tpu.memory_space<vmem>>, vector<1x128x1xf32>
    %get3A_3 = vector.shape_cast %get3A_2 : vector<1x128x1xf32> to vector<128x1xf32>
    %get3A_4 = arith.constant 0 : index
    %get3A_5 = arith.constant 0 : index
    %get3A_6 = arith.constant 1 : index
    %get3A_7 = vector.load %arg3[%get3A_4, %get3A_5, %get3A_6] : memref<1x128x3xf32, #tpu.memory_space<vmem>>, vector<1x128x1xf32>
    %get3A_8 = vector.shape_cast %get3A_7 : vector<1x128x1xf32> to vector<128x1xf32>
    %get3A_9 = arith.constant 0 : index
    %get3A_10 = arith.constant 0 : index
    %get3A_11 = arith.constant 2 : index
    %get3A_12 = vector.load %arg3[%get3A_9, %get3A_10, %get3A_11] : memref<1x128x3xf32, #tpu.memory_space<vmem>>, vector<1x128x1xf32>
    %get3A_13 = vector.shape_cast %get3A_12 : vector<1x128x1xf32> to vector<128x1xf32>
    %get3A_14 = arith.constant 0 : index
    %get3A_15 = arith.constant 0 : index
    %get3A_16 = arith.constant 0 : index
    %get3A_17 = vector.load %arg2[%get3A_14, %get3A_15, %get3A_16] : memref<1x3x8192xf32, #tpu.memory_space<vmem>>, vector<1x3x8192xf32>
    %get3A_18 = vector.shape_cast %get3A_17 : vector<1x3x8192xf32> to vector<3x8192xf32>
    %slice3A = vector.extract_strided_slice %get3A_18 {offsets = [0, 0], sizes = [1, 8192], strides = [1, 1]} : vector<3x8192xf32> to vector<1x8192xf32>
    %slice3A_19 = vector.extract_strided_slice %get3A_18 {offsets = [1, 0], sizes = [1, 8192], strides = [1, 1]} : vector<3x8192xf32> to vector<1x8192xf32>
    %slice3A_20 = vector.extract_strided_slice %get3A_18 {offsets = [2, 0], sizes = [1, 8192], strides = [1, 1]} : vector<3x8192xf32> to vector<1x8192xf32>
    %sub3A = vector.broadcast %slice3A : vector<1x8192xf32> to vector<128x8192xf32>
    %sub3A_21 = vector.broadcast %get3A_3 : vector<128x1xf32> to vector<128x8192xf32>
    %sub3A_22 = arith.subf %sub3A, %sub3A_21 : vector<128x8192xf32>
    %sub3A_23 = vector.broadcast %slice3A_19 : vector<1x8192xf32> to vector<128x8192xf32>
    %sub3A_24 = vector.broadcast %get3A_8 : vector<128x1xf32> to vector<128x8192xf32>
    %sub3A_25 = arith.subf %sub3A_23, %sub3A_24 : vector<128x8192xf32>
    %sub3A_26 = vector.broadcast %slice3A_20 : vector<1x8192xf32> to vector<128x8192xf32>
    %sub3A_27 = vector.broadcast %get3A_13 : vector<128x1xf32> to vector<128x8192xf32>
    %sub3A_28 = arith.subf %sub3A_26, %sub3A_27 : vector<128x8192xf32>
    %mul3A = arith.mulf %sub3A_22, %sub3A_22 : vector<128x8192xf32>
    %mul3A_29 = arith.mulf %sub3A_25, %sub3A_25 : vector<128x8192xf32>
    %add3A = arith.addf %mul3A, %mul3A_29 : vector<128x8192xf32>
    %mul3A_30 = arith.mulf %sub3A_28, %sub3A_28 : vector<128x8192xf32>
    %add3A_31 = arith.addf %add3A, %mul3A_30 : vector<128x8192xf32>
    %sqrt3A = math.sqrt %add3A_31 : vector<128x8192xf32>
    %get3A_32 = arith.constant 0 : index
    %get3A_33 = arith.constant 0 : index
    %get3A_34 = arith.constant 0 : index
    %get3A_35 = vector.load %arg4[%get3A_32, %get3A_33, %get3A_34] : memref<1x128x1xf32, #tpu.memory_space<vmem>>, vector<1x128x1xf32>
    %get3A_36 = vector.shape_cast %get3A_35 : vector<1x128x1xf32> to vector<128x1xf32>
    %div3A = arith.constant 5.2360876E-4 : f32
    %div3A_37 = vector.broadcast %div3A : f32 to vector<128x1xf32>
    %div3A_38 = arith.divf %get3A_36, %div3A_37 : vector<128x1xf32>
    %get3A_39 = arith.constant 0 : index
    %get3A_40 = arith.constant 0 : index
    %get3A_41 = memref.load %arg5[%get3A_39, %get3A_40] : memref<1x1xf32, #tpu.memory_space<smem>>
    %add3A_42 = arith.constant 9.99999993E-9 : f32
    %add3A_43 = arith.addf %get3A_41, %add3A_42 : f32
    %div3A_44 = vector.broadcast %add3A_43 : f32 to vector<128x1xf32>
    %div3A_45 = arith.divf %div3A_38, %div3A_44 : vector<128x1xf32>
    %sub3A_46 = arith.constant 1.000000e+00 : f32
    %sub3A_47 = vector.broadcast %sub3A_46 : f32 to vector<128x1xf32>
    %sub3A_48 = arith.subf %sub3A_47, %div3A_45 : vector<128x1xf32>
    %mul3A_49 = arith.constant 2.500000e-01 : f32
    %mul3A_50 = vector.broadcast %mul3A_49 : f32 to vector<128x1xf32>
    %mul3A_51 = arith.mulf %mul3A_50, %sub3A_48 : vector<128x1xf32>
    %add3A_52 = arith.constant 5.000000e-02 : f32
    %add3A_53 = vector.broadcast %add3A_52 : f32 to vector<128x1xf32>
    %add3A_54 = arith.addf %add3A_53, %mul3A_51 : vector<128x1xf32>
    %lt3A = vector.broadcast %add3A_54 : vector<128x1xf32> to vector<128x8192xf32>
    %lt3A_55 = arith.cmpf olt, %sqrt3A, %lt3A : vector<128x8192xf32>
    %jit3A = arith.constant 1.000000e+10 : f32
    %broadcast_in_dim3A = vector.broadcast %jit3A : f32 to vector<128x8192xf32>
    %select_n3A = arith.select %lt3A_55, %sqrt3A, %broadcast_in_dim3A : vector<128x8192xi1>, vector<128x8192xf32>
    %iota3A = tpu.iota {dimensions = array<i32: 1>} : vector<128x8192xi32>
    %convert_element_type3A = arith.sitofp %iota3A : vector<128x8192xi32> to vector<128x8192xf32>
    %mul3A_56 = arith.constant 8192 : i32
    %mul3A_57 = arith.muli %arg0, %mul3A_56 : i32
    %convert_element_type3A_58 = arith.sitofp %mul3A_57 : i32 to f32
    %reduce_min3A = arith.constant dense<0x7F800000> : vector<128xf32>
    %reduce_min3A_59 = vector.multi_reduction <minimumf>, %select_n3A, %reduce_min3A [1] : vector<128x8192xf32> to vector<128xf32>
    %broadcast_in_dim3A_60 = vector.shape_cast %reduce_min3A_59 : vector<128xf32> to vector<128x1xf32>
    %eq3A = vector.broadcast %broadcast_in_dim3A_60 : vector<128x1xf32> to vector<128x8192xf32>
    %eq3A_61 = arith.cmpf oeq, %select_n3A, %eq3A : vector<128x8192xf32>
    %jit3A_62 = arith.constant 8.192000e+03 : f32
    %broadcast_in_dim3A_63 = vector.broadcast %jit3A_62 : f32 to vector<128x8192xf32>
    %select_n3A_64 = arith.select %eq3A_61, %convert_element_type3A, %broadcast_in_dim3A_63 : vector<128x8192xi1>, vector<128x8192xf32>
    %reduce_min3A_65 = arith.constant dense<0x7F800000> : vector<128xf32>
    %reduce_min3A_66 = vector.multi_reduction <minimumf>, %select_n3A_64, %reduce_min3A_65 [1] : vector<128x8192xf32> to vector<128xf32>
    %add3A_67 = vector.broadcast %convert_element_type3A_58 : f32 to vector<128xf32>
    %add3A_68 = arith.addf %reduce_min3A_66, %add3A_67 : vector<128xf32>
    %convert_element_type3A_69 = arith.fptosi %add3A_68 : vector<128xf32> to vector<128xi32>
    %swap3A = arith.constant 0 : index
    %swap3A_70 = arith.constant 0 : index
    %swap3A_71 = arith.constant 0 : index
    %swap3A_72 = vector.load %arg6[%swap3A, %swap3A_70, %swap3A_71] : memref<1x128x16xi32, #tpu.memory_space<vmem>>, vector<1x128x1xi32>
    %swap3A_73 = vector.shape_cast %swap3A_72 : vector<1x128x1xi32> to vector<128xi32>
    %swap3A_74 = vector.shape_cast %convert_element_type3A_69 : vector<128xi32> to vector<1x128x1xi32>
    tpu.vector_store %arg6[%swap3A, %swap3A_70, %swap3A_71], %swap3A_74 {strides = array<i32>} : memref<1x128x16xi32, #tpu.memory_space<vmem>>, vector<1x128x1xi32>,
    %broadcast_in_dim3A_75 = vector.shape_cast %reduce_min3A_66 : vector<128xf32> to vector<128x1xf32>
    %eq3A_76 = vector.broadcast %broadcast_in_dim3A_75 : vector<128x1xf32> to vector<128x8192xf32>
    %eq3A_77 = arith.cmpf oeq, %convert_element_type3A, %eq3A_76 : vector<128x8192xf32>
    %jit3A_78 = arith.constant 0x7F800000 : f32
    %broadcast_in_dim3A_79 = vector.broadcast %jit3A_78 : f32 to vector<128x8192xf32>
    %select_n3A_80 = arith.select %eq3A_77, %broadcast_in_dim3A_79, %select_n3A : vector<128x8192xi1>, vector<128x8192xf32>
    %reduce_min3A_81 = arith.constant dense<0x7F800000> : vector<128xf32>
    %reduce_min3A_82 = vector.multi_reduction <minimumf>, %select_n3A_80, %reduce_min3A_81 [1] : vector<128x8192xf32> to vector<128xf32>
    %broadcast_in_dim3A_83 = vector.shape_cast %reduce_min3A_82 : vector<128xf32> to vector<128x1xf32>
    %eq3A_84 = vector.broadcast %broadcast_in_dim3A_83 : vector<128x1xf32> to vector<128x8192xf32>
    %eq3A_85 = arith.cmpf oeq, %select_n3A_80, %eq3A_84 : vector<128x8192xf32>
    %jit3A_86 = arith.constant 8.192000e+03 : f32
    %broadcast_in_dim3A_87 = vector.broadcast %jit3A_86 : f32 to vector<128x8192xf32>
    %select_n3A_88 = arith.select %eq3A_85, %convert_element_type3A, %broadcast_in_dim3A_87 : vector<128x8192xi1>, vector<128x8192xf32>
    %reduce_min3A_89 = arith.constant dense<0x7F800000> : vector<128xf32>
    %reduce_min3A_90 = vector.multi_reduction <minimumf>, %select_n3A_88, %reduce_min3A_89 [1] : vector<128x8192xf32> to vector<128xf32>
    %add3A_91 = vector.broadcast %convert_element_type3A_58 : f32 to vector<128xf32>
    %add3A_92 = arith.addf %reduce_min3A_90, %add3A_91 : vector<128xf32>
    %convert_element_type3A_93 = arith.fptosi %add3A_92 : vector<128xf32> to vector<128xi32>
    %swap3A_94 = arith.constant 0 : index
    %swap3A_95 = arith.constant 0 : index
    %swap3A_96 = arith.constant 1 : index
    %swap3A_97 = vector.load %arg6[%swap3A_94, %swap3A_95, %swap3A_96] : memref<1x128x16xi32, #tpu.memory_space<vmem>>, vector<1x128x1xi32>
    %swap3A_98 = vector.shape_cast %swap3A_97 : vector<1x128x1xi32> to vector<128xi32>
    %swap3A_99 = vector.shape_cast %convert_element_type3A_93 : vector<128xi32> to vector<1x128x1xi32>
    tpu.vector_store %arg6[%swap3A_94, %swap3A_95, %swap3A_96], %swap3A_99 {strides = array<i32>} : memref<1x128x16xi32, #tpu.memory_space<vmem>>, vector<1x128x1xi32>,
    %broadcast_in_dim3A_100 = vector.shape_cast %reduce_min3A_90 : vector<128xf32> to vector<128x1xf32>
    %eq3A_101 = vector.broadcast %broadcast_in_dim3A_100 : vector<128x1xf32> to vector<128x8192xf32>
    %eq3A_102 = arith.cmpf oeq, %convert_element_type3A, %eq3A_101 : vector<128x8192xf32>
    %jit3A_103 = arith.constant 0x7F800000 : f32
    %broadcast_in_dim3A_104 = vector.broadcast %jit3A_103 : f32 to vector<128x8192xf32>
    %select_n3A_105 = arith.select %eq3A_102, %broadcast_in_dim3A_104, %select_n3A_80 : vector<128x8192xi1>, vector<128x8192xf32>
    %reduce_min3A_106 = arith.constant dense<0x7F800000> : vector<128xf32>
    %reduce_min3A_107 = vector.multi_reduction <minimumf>, %select_n3A_105, %reduce_min3A_106 [1] : vector<128x8192xf32> to vector<128xf32>
    %broadcast_in_dim3A_108 = vector.shape_cast %reduce_min3A_107 : vector<128xf32> to vector<128x1xf32>
    %eq3A_109 = vector.broadcast %broadcast_in_dim3A_108 : vector<128x1xf32> to vector<128x8192xf32>
    %eq3A_110 = arith.cmpf oeq, %select_n3A_105, %eq3A_109 : vector<128x8192xf32>
    %jit3A_111 = arith.constant 8.192000e+03 : f32
    %broadcast_in_dim3A_112 = vector.broadcast %jit3A_111 : f32 to vector<128x8192xf32>
    %select_n3A_113 = arith.select %eq3A_110, %convert_element_type3A, %broadcast_in_dim3A_112 : vector<128x8192xi1>, vector<128x8192xf32>
    %reduce_min3A_114 = arith.constant dense<0x7F800000> : vector<128xf32>
    %reduce_min3A_115 = vector.multi_reduction <minimumf>, %select_n3A_113, %reduce_min3A_114 [1] : vector<128x8192xf32> to vector<128xf32>
    %add3A_116 = vector.broadcast %convert_element_type3A_58 : f32 to vector<128xf32>
    %add3A_117 = arith.addf %reduce_min3A_115, %add3A_116 : vector<128xf32>
    %convert_element_type3A_118 = arith.fptosi %add3A_117 : vector<128xf32> to vector<128xi32>
    %swap3A_119 = arith.constant 0 : index
    %swap3A_120 = arith.constant 0 : index
    %swap3A_121 = arith.constant 2 : index
    %swap3A_122 = vector.load %arg6[%swap3A_119, %swap3A_120, %swap3A_121] : memref<1x128x16xi32, #tpu.memory_space<vmem>>, vector<1x128x1xi32>
    %swap3A_123 = vector.shape_cast %swap3A_122 : vector<1x128x1xi32> to vector<128xi32>
    %swap3A_124 = vector.shape_cast %convert_element_type3A_118 : vector<128xi32> to vector<1x128x1xi32>
    tpu.vector_store %arg6[%swap3A_119, %swap3A_120, %swap3A_121], %swap3A_124 {strides = array<i32>} : memref<1x128x16xi32, #tpu.memory_space<vmem>>, vector<1x128x1xi32>,
    %broadcast_in_dim3A_125 = vector.shape_cast %reduce_min3A_115 : vector<128xf32> to vector<128x1xf32>
    %eq3A_126 = vector.broadcast %broadcast_in_dim3A_125 : vector<128x1xf32> to vector<128x8192xf32>
    %eq3A_127 = arith.cmpf oeq, %convert_element_type3A, %eq3A_126 : vector<128x8192xf32>
    %jit3A_128 = arith.constant 0x7F800000 : f32
    %broadcast_in_dim3A_129 = vector.broadcast %jit3A_128 : f32 to vector<128x8192xf32>
    %select_n3A_130 = arith.select %eq3A_127, %broadcast_in_dim3A_129, %select_n3A_105 : vector<128x8192xi1>, vector<128x8192xf32>
    %reduce_min3A_131 = arith.constant dense<0x7F800000> : vector<128xf32>
    %reduce_min3A_132 = vector.multi_reduction <minimumf>, %select_n3A_130, %reduce_min3A_131 [1] : vector<128x8192xf32> to vector<128xf32>
    %broadcast_in_dim3A_133 = vector.shape_cast %reduce_min3A_132 : vector<128xf32> to vector<128x1xf32>
    %eq3A_134 = vector.broadcast %broadcast_in_dim3A_133 : vector<128x1xf32> to vector<128x8192xf32>
    %eq3A_135 = arith.cmpf oeq, %select_n3A_130, %eq3A_134 : vector<128x8192xf32>
    %jit3A_136 = arith.constant 8.192000e+03 : f32
    %broadcast_in_dim3A_137 = vector.broadcast %jit3A_136 : f32 to vector<128x8192xf32>
    %select_n3A_138 = arith.select %eq3A_135, %convert_element_type3A, %broadcast_in_dim3A_137 : vector<128x8192xi1>, vector<128x8192xf32>
    %reduce_min3A_139 = arith.constant dense<0x7F800000> : vector<128xf32>
    %reduce_min3A_140 = vector.multi_reduction <minimumf>, %select_n3A_138, %reduce_min3A_139 [1] : vector<128x8192xf32> to vector<128xf32>
    %add3A_141 = vector.broadcast %convert_element_type3A_58 : f32 to vector<128xf32>
    %add3A_142 = arith.addf %reduce_min3A_140, %add3A_141 : vector<128xf32>
    %convert_element_type3A_143 = arith.fptosi %add3A_142 : vector<128xf32> to vector<128xi32>
    %swap3A_144 = arith.constant 0 : index
    %swap3A_145 = arith.constant 0 : index
    %swap3A_146 = arith.constant 3 : index
    %swap3A_147 = vector.load %arg6[%swap3A_144, %swap3A_145, %swap3A_146] : memref<1x128x16xi32, #tpu.memory_space<vmem>>, vector<1x128x1xi32>
    %swap3A_148 = vector.shape_cast %swap3A_147 : vector<1x128x1xi32> to vector<128xi32>
    %swap3A_149 = vector.shape_cast %convert_element_type3A_143 : vector<128xi32> to vector<1x128x1xi32>
    tpu.vector_store %arg6[%swap3A_144, %swap3A_145, %swap3A_146], %swap3A_149 {strides = array<i32>} : memref<1x128x16xi32, #tpu.memory_space<vmem>>, vector<1x128x1xi32>,
    %broadcast_in_dim3A_150 = vector.shape_cast %reduce_min3A_140 : vector<128xf32> to vector<128x1xf32>
    %eq3A_151 = vector.broadcast %broadcast_in_dim3A_150 : vector<128x1xf32> to vector<128x8192xf32>
    %eq3A_152 = arith.cmpf oeq, %convert_element_type3A, %eq3A_151 : vector<128x8192xf32>
    %jit3A_153 = arith.constant 0x7F800000 : f32
    %broadcast_in_dim3A_154 = vector.broadcast %jit3A_153 : f32 to vector<128x8192xf32>
    %select_n3A_155 = arith.select %eq3A_152, %broadcast_in_dim3A_154, %select_n3A_130 : vector<128x8192xi1>, vector<128x8192xf32>
    %reduce_min3A_156 = arith.constant dense<0x7F800000> : vector<128xf32>
    %reduce_min3A_157 = vector.multi_reduction <minimumf>, %select_n3A_155, %reduce_min3A_156 [1] : vector<128x8192xf32> to vector<128xf32>
    %broadcast_in_dim3A_158 = vector.shape_cast %reduce_min3A_157 : vector<128xf32> to vector<128x1xf32>
    %eq3A_159 = vector.broadcast %broadcast_in_dim3A_158 : vector<128x1xf32> to vector<128x8192xf32>
    %eq3A_160 = arith.cmpf oeq, %select_n3A_155, %eq3A_159 : vector<128x8192xf32>
    %jit3A_161 = arith.constant 8.192000e+03 : f32
    %broadcast_in_dim3A_162 = vector.broadcast %jit3A_161 : f32 to vector<128x8192xf32>
    %select_n3A_163 = arith.select %eq3A_160, %convert_element_type3A, %broadcast_in_dim3A_162 : vector<128x8192xi1>, vector<128x8192xf32>
    %reduce_min3A_164 = arith.constant dense<0x7F800000> : vector<128xf32>
    %reduce_min3A_165 = vector.multi_reduction <minimumf>, %select_n3A_163, %reduce_min3A_164 [1] : vector<128x8192xf32> to vector<128xf32>
    %add3A_166 = vector.broadcast %convert_element_type3A_58 : f32 to vector<128xf32>
    %add3A_167 = arith.addf %reduce_min3A_165, %add3A_166 : vector<128xf32>
    %convert_element_type3A_168 = arith.fptosi %add3A_167 : vector<128xf32> to vector<128xi32>
    %swap3A_169 = arith.constant 0 : index
    %swap3A_170 = arith.constant 0 : index
    %swap3A_171 = arith.constant 4 : index
    %swap3A_172 = vector.load %arg6[%swap3A_169, %swap3A_170, %swap3A_171] : memref<1x128x16xi32, #tpu.memory_space<vmem>>, vector<1x128x1xi32>
    %swap3A_173 = vector.shape_cast %swap3A_172 : vector<1x128x1xi32> to vector<128xi32>
    %swap3A_174 = vector.shape_cast %convert_element_type3A_168 : vector<128xi32> to vector<1x128x1xi32>
    tpu.vector_store %arg6[%swap3A_169, %swap3A_170, %swap3A_171], %swap3A_174 {strides = array<i32>} : memref<1x128x16xi32, #tpu.memory_space<vmem>>, vector<1x128x1xi32>,
    %broadcast_in_dim3A_175 = vector.shape_cast %reduce_min3A_165 : vector<128xf32> to vector<128x1xf32>
    %eq3A_176 = vector.broadcast %broadcast_in_dim3A_175 : vector<128x1xf32> to vector<128x8192xf32>
    %eq3A_177 = arith.cmpf oeq, %convert_element_type3A, %eq3A_176 : vector<128x8192xf32>
    %jit3A_178 = arith.constant 0x7F800000 : f32
    %broadcast_in_dim3A_179 = vector.broadcast %jit3A_178 : f32 to vector<128x8192xf32>
    %select_n3A_180 = arith.select %eq3A_177, %broadcast_in_dim3A_179, %select_n3A_155 : vector<128x8192xi1>, vector<128x8192xf32>
    %reduce_min3A_181 = arith.constant dense<0x7F800000> : vector<128xf32>
    %reduce_min3A_182 = vector.multi_reduction <minimumf>, %select_n3A_180, %reduce_min3A_181 [1] : vector<128x8192xf32> to vector<128xf32>
    %broadcast_in_dim3A_183 = vector.shape_cast %reduce_min3A_182 : vector<128xf32> to vector<128x1xf32>
    %eq3A_184 = vector.broadcast %broadcast_in_dim3A_183 : vector<128x1xf32> to vector<128x8192xf32>
    %eq3A_185 = arith.cmpf oeq, %select_n3A_180, %eq3A_184 : vector<128x8192xf32>
    %jit3A_186 = arith.constant 8.192000e+03 : f32
    %broadcast_in_dim3A_187 = vector.broadcast %jit3A_186 : f32 to vector<128x8192xf32>
    %select_n3A_188 = arith.select %eq3A_185, %convert_element_type3A, %broadcast_in_dim3A_187 : vector<128x8192xi1>, vector<128x8192xf32>
    %reduce_min3A_189 = arith.constant dense<0x7F800000> : vector<128xf32>
    %reduce_min3A_190 = vector.multi_reduction <minimumf>, %select_n3A_188, %reduce_min3A_189 [1] : vector<128x8192xf32> to vector<128xf32>
    %add3A_191 = vector.broadcast %convert_element_type3A_58 : f32 to vector<128xf32>
    %add3A_192 = arith.addf %reduce_min3A_190, %add3A_191 : vector<128xf32>
    %convert_element_type3A_193 = arith.fptosi %add3A_192 : vector<128xf32> to vector<128xi32>
    %swap3A_194 = arith.constant 0 : index
    %swap3A_195 = arith.constant 0 : index
    %swap3A_196 = arith.constant 5 : index
    %swap3A_197 = vector.load %arg6[%swap3A_194, %swap3A_195, %swap3A_196] : memref<1x128x16xi32, #tpu.memory_space<vmem>>, vector<1x128x1xi32>
    %swap3A_198 = vector.shape_cast %swap3A_197 : vector<1x128x1xi32> to vector<128xi32>
    %swap3A_199 = vector.shape_cast %convert_element_type3A_193 : vector<128xi32> to vector<1x128x1xi32>
    tpu.vector_store %arg6[%swap3A_194, %swap3A_195, %swap3A_196], %swap3A_199 {strides = array<i32>} : memref<1x128x16xi32, #tpu.memory_space<vmem>>, vector<1x128x1xi32>,
    %broadcast_in_dim3A_200 = vector.shape_cast %reduce_min3A_190 : vector<128xf32> to vector<128x1xf32>
    %eq3A_201 = vector.broadcast %broadcast_in_dim3A_200 : vector<128x1xf32> to vector<128x8192xf32>
    %eq3A_202 = arith.cmpf oeq, %convert_element_type3A, %eq3A_201 : vector<128x8192xf32>
    %jit3A_203 = arith.constant 0x7F800000 : f32
    %broadcast_in_dim3A_204 = vector.broadcast %jit3A_203 : f32 to vector<128x8192xf32>
    %select_n3A_205 = arith.select %eq3A_202, %broadcast_in_dim3A_204, %select_n3A_180 : vector<128x8192xi1>, vector<128x8192xf32>
    %reduce_min3A_206 = arith.constant dense<0x7F800000> : vector<128xf32>
    %reduce_min3A_207 = vector.multi_reduction <minimumf>, %select_n3A_205, %reduce_min3A_206 [1] : vector<128x8192xf32> to vector<128xf32>
    %broadcast_in_dim3A_208 = vector.shape_cast %reduce_min3A_207 : vector<128xf32> to vector<128x1xf32>
    %eq3A_209 = vector.broadcast %broadcast_in_dim3A_208 : vector<128x1xf32> to vector<128x8192xf32>
    %eq3A_210 = arith.cmpf oeq, %select_n3A_205, %eq3A_209 : vector<128x8192xf32>
    %jit3A_211 = arith.constant 8.192000e+03 : f32
    %broadcast_in_dim3A_212 = vector.broadcast %jit3A_211 : f32 to vector<128x8192xf32>
    %select_n3A_213 = arith.select %eq3A_210, %convert_element_type3A, %broadcast_in_dim3A_212 : vector<128x8192xi1>, vector<128x8192xf32>
    %reduce_min3A_214 = arith.constant dense<0x7F800000> : vector<128xf32>
    %reduce_min3A_215 = vector.multi_reduction <minimumf>, %select_n3A_213, %reduce_min3A_214 [1] : vector<128x8192xf32> to vector<128xf32>
    %add3A_216 = vector.broadcast %convert_element_type3A_58 : f32 to vector<128xf32>
    %add3A_217 = arith.addf %reduce_min3A_215, %add3A_216 : vector<128xf32>
    %convert_element_type3A_218 = arith.fptosi %add3A_217 : vector<128xf32> to vector<128xi32>
    %swap3A_219 = arith.constant 0 : index
    %swap3A_220 = arith.constant 0 : index
    %swap3A_221 = arith.constant 6 : index
    %swap3A_222 = vector.load %arg6[%swap3A_219, %swap3A_220, %swap3A_221] : memref<1x128x16xi32, #tpu.memory_space<vmem>>, vector<1x128x1xi32>
    %swap3A_223 = vector.shape_cast %swap3A_222 : vector<1x128x1xi32> to vector<128xi32>
    %swap3A_224 = vector.shape_cast %convert_element_type3A_218 : vector<128xi32> to vector<1x128x1xi32>
    tpu.vector_store %arg6[%swap3A_219, %swap3A_220, %swap3A_221], %swap3A_224 {strides = array<i32>} : memref<1x128x16xi32, #tpu.memory_space<vmem>>, vector<1x128x1xi32>,
    %broadcast_in_dim3A_225 = vector.shape_cast %reduce_min3A_215 : vector<128xf32> to vector<128x1xf32>
    %eq3A_226 = vector.broadcast %broadcast_in_dim3A_225 : vector<128x1xf32> to vector<128x8192xf32>
    %eq3A_227 = arith.cmpf oeq, %convert_element_type3A, %eq3A_226 : vector<128x8192xf32>
    %jit3A_228 = arith.constant 0x7F800000 : f32
    %broadcast_in_dim3A_229 = vector.broadcast %jit3A_228 : f32 to vector<128x8192xf32>
    %select_n3A_230 = arith.select %eq3A_227, %broadcast_in_dim3A_229, %select_n3A_205 : vector<128x8192xi1>, vector<128x8192xf32>
    %reduce_min3A_231 = arith.constant dense<0x7F800000> : vector<128xf32>
    %reduce_min3A_232 = vector.multi_reduction <minimumf>, %select_n3A_230, %reduce_min3A_231 [1] : vector<128x8192xf32> to vector<128xf32>
    %broadcast_in_dim3A_233 = vector.shape_cast %reduce_min3A_232 : vector<128xf32> to vector<128x1xf32>
    %eq3A_234 = vector.broadcast %broadcast_in_dim3A_233 : vector<128x1xf32> to vector<128x8192xf32>
    %eq3A_235 = arith.cmpf oeq, %select_n3A_230, %eq3A_234 : vector<128x8192xf32>
    %jit3A_236 = arith.constant 8.192000e+03 : f32
    %broadcast_in_dim3A_237 = vector.broadcast %jit3A_236 : f32 to vector<128x8192xf32>
    %select_n3A_238 = arith.select %eq3A_235, %convert_element_type3A, %broadcast_in_dim3A_237 : vector<128x8192xi1>, vector<128x8192xf32>
    %reduce_min3A_239 = arith.constant dense<0x7F800000> : vector<128xf32>
    %reduce_min3A_240 = vector.multi_reduction <minimumf>, %select_n3A_238, %reduce_min3A_239 [1] : vector<128x8192xf32> to vector<128xf32>
    %add3A_241 = vector.broadcast %convert_element_type3A_58 : f32 to vector<128xf32>
    %add3A_242 = arith.addf %reduce_min3A_240, %add3A_241 : vector<128xf32>
    %convert_element_type3A_243 = arith.fptosi %add3A_242 : vector<128xf32> to vector<128xi32>
    %swap3A_244 = arith.constant 0 : index
    %swap3A_245 = arith.constant 0 : index
    %swap3A_246 = arith.constant 7 : index
    %swap3A_247 = vector.load %arg6[%swap3A_244, %swap3A_245, %swap3A_246] : memref<1x128x16xi32, #tpu.memory_space<vmem>>, vector<1x128x1xi32>
    %swap3A_248 = vector.shape_cast %swap3A_247 : vector<1x128x1xi32> to vector<128xi32>
    %swap3A_249 = vector.shape_cast %convert_element_type3A_243 : vector<128xi32> to vector<1x128x1xi32>
    tpu.vector_store %arg6[%swap3A_244, %swap3A_245, %swap3A_246], %swap3A_249 {strides = array<i32>} : memref<1x128x16xi32, #tpu.memory_space<vmem>>, vector<1x128x1xi32>,
    %broadcast_in_dim3A_250 = vector.shape_cast %reduce_min3A_240 : vector<128xf32> to vector<128x1xf32>
    %eq3A_251 = vector.broadcast %broadcast_in_dim3A_250 : vector<128x1xf32> to vector<128x8192xf32>
    %eq3A_252 = arith.cmpf oeq, %convert_element_type3A, %eq3A_251 : vector<128x8192xf32>
    %jit3A_253 = arith.constant 0x7F800000 : f32
    %broadcast_in_dim3A_254 = vector.broadcast %jit3A_253 : f32 to vector<128x8192xf32>
    %select_n3A_255 = arith.select %eq3A_252, %broadcast_in_dim3A_254, %select_n3A_230 : vector<128x8192xi1>, vector<128x8192xf32>
    %reduce_min3A_256 = arith.constant dense<0x7F800000> : vector<128xf32>
    %reduce_min3A_257 = vector.multi_reduction <minimumf>, %select_n3A_255, %reduce_min3A_256 [1] : vector<128x8192xf32> to vector<128xf32>
    %broadcast_in_dim3A_258 = vector.shape_cast %reduce_min3A_257 : vector<128xf32> to vector<128x1xf32>
    %eq3A_259 = vector.broadcast %broadcast_in_dim3A_258 : vector<128x1xf32> to vector<128x8192xf32>
    %eq3A_260 = arith.cmpf oeq, %select_n3A_255, %eq3A_259 : vector<128x8192xf32>
    %jit3A_261 = arith.constant 8.192000e+03 : f32
    %broadcast_in_dim3A_262 = vector.broadcast %jit3A_261 : f32 to vector<128x8192xf32>
    %select_n3A_263 = arith.select %eq3A_260, %convert_element_type3A, %broadcast_in_dim3A_262 : vector<128x8192xi1>, vector<128x8192xf32>
    %reduce_min3A_264 = arith.constant dense<0x7F800000> : vector<128xf32>
    %reduce_min3A_265 = vector.multi_reduction <minimumf>, %select_n3A_263, %reduce_min3A_264 [1] : vector<128x8192xf32> to vector<128xf32>
    %add3A_266 = vector.broadcast %convert_element_type3A_58 : f32 to vector<128xf32>
    %add3A_267 = arith.addf %reduce_min3A_265, %add3A_266 : vector<128xf32>
    %convert_element_type3A_268 = arith.fptosi %add3A_267 : vector<128xf32> to vector<128xi32>
    %swap3A_269 = arith.constant 0 : index
    %swap3A_270 = arith.constant 0 : index
    %swap3A_271 = arith.constant 8 : index
    %swap3A_272 = vector.load %arg6[%swap3A_269, %swap3A_270, %swap3A_271] : memref<1x128x16xi32, #tpu.memory_space<vmem>>, vector<1x128x1xi32>
    %swap3A_273 = vector.shape_cast %swap3A_272 : vector<1x128x1xi32> to vector<128xi32>
    %swap3A_274 = vector.shape_cast %convert_element_type3A_268 : vector<128xi32> to vector<1x128x1xi32>
    tpu.vector_store %arg6[%swap3A_269, %swap3A_270, %swap3A_271], %swap3A_274 {strides = array<i32>} : memref<1x128x16xi32, #tpu.memory_space<vmem>>, vector<1x128x1xi32>,
    %broadcast_in_dim3A_275 = vector.shape_cast %reduce_min3A_265 : vector<128xf32> to vector<128x1xf32>
    %eq3A_276 = vector.broadcast %broadcast_in_dim3A_275 : vector<128x1xf32> to vector<128x8192xf32>
    %eq3A_277 = arith.cmpf oeq, %convert_element_type3A, %eq3A_276 : vector<128x8192xf32>
    %jit3A_278 = arith.constant 0x7F800000 : f32
    %broadcast_in_dim3A_279 = vector.broadcast %jit3A_278 : f32 to vector<128x8192xf32>
    %select_n3A_280 = arith.select %eq3A_277, %broadcast_in_dim3A_279, %select_n3A_255 : vector<128x8192xi1>, vector<128x8192xf32>
    %reduce_min3A_281 = arith.constant dense<0x7F800000> : vector<128xf32>
    %reduce_min3A_282 = vector.multi_reduction <minimumf>, %select_n3A_280, %reduce_min3A_281 [1] : vector<128x8192xf32> to vector<128xf32>
    %broadcast_in_dim3A_283 = vector.shape_cast %reduce_min3A_282 : vector<128xf32> to vector<128x1xf32>
    %eq3A_284 = vector.broadcast %broadcast_in_dim3A_283 : vector<128x1xf32> to vector<128x8192xf32>
    %eq3A_285 = arith.cmpf oeq, %select_n3A_280, %eq3A_284 : vector<128x8192xf32>
    %jit3A_286 = arith.constant 8.192000e+03 : f32
    %broadcast_in_dim3A_287 = vector.broadcast %jit3A_286 : f32 to vector<128x8192xf32>
    %select_n3A_288 = arith.select %eq3A_285, %convert_element_type3A, %broadcast_in_dim3A_287 : vector<128x8192xi1>, vector<128x8192xf32>
    %reduce_min3A_289 = arith.constant dense<0x7F800000> : vector<128xf32>
    %reduce_min3A_290 = vector.multi_reduction <minimumf>, %select_n3A_288, %reduce_min3A_289 [1] : vector<128x8192xf32> to vector<128xf32>
    %add3A_291 = vector.broadcast %convert_element_type3A_58 : f32 to vector<128xf32>
    %add3A_292 = arith.addf %reduce_min3A_290, %add3A_291 : vector<128xf32>
    %convert_element_type3A_293 = arith.fptosi %add3A_292 : vector<128xf32> to vector<128xi32>
    %swap3A_294 = arith.constant 0 : index
    %swap3A_295 = arith.constant 0 : index
    %swap3A_296 = arith.constant 9 : index
    %swap3A_297 = vector.load %arg6[%swap3A_294, %swap3A_295, %swap3A_296] : memref<1x128x16xi32, #tpu.memory_space<vmem>>, vector<1x128x1xi32>
    %swap3A_298 = vector.shape_cast %swap3A_297 : vector<1x128x1xi32> to vector<128xi32>
    %swap3A_299 = vector.shape_cast %convert_element_type3A_293 : vector<128xi32> to vector<1x128x1xi32>
    tpu.vector_store %arg6[%swap3A_294, %swap3A_295, %swap3A_296], %swap3A_299 {strides = array<i32>} : memref<1x128x16xi32, #tpu.memory_space<vmem>>, vector<1x128x1xi32>,
    %broadcast_in_dim3A_300 = vector.shape_cast %reduce_min3A_290 : vector<128xf32> to vector<128x1xf32>
    %eq3A_301 = vector.broadcast %broadcast_in_dim3A_300 : vector<128x1xf32> to vector<128x8192xf32>
    %eq3A_302 = arith.cmpf oeq, %convert_element_type3A, %eq3A_301 : vector<128x8192xf32>
    %jit3A_303 = arith.constant 0x7F800000 : f32
    %broadcast_in_dim3A_304 = vector.broadcast %jit3A_303 : f32 to vector<128x8192xf32>
    %select_n3A_305 = arith.select %eq3A_302, %broadcast_in_dim3A_304, %select_n3A_280 : vector<128x8192xi1>, vector<128x8192xf32>
    %reduce_min3A_306 = arith.constant dense<0x7F800000> : vector<128xf32>
    %reduce_min3A_307 = vector.multi_reduction <minimumf>, %select_n3A_305, %reduce_min3A_306 [1] : vector<128x8192xf32> to vector<128xf32>
    %broadcast_in_dim3A_308 = vector.shape_cast %reduce_min3A_307 : vector<128xf32> to vector<128x1xf32>
    %eq3A_309 = vector.broadcast %broadcast_in_dim3A_308 : vector<128x1xf32> to vector<128x8192xf32>
    %eq3A_310 = arith.cmpf oeq, %select_n3A_305, %eq3A_309 : vector<128x8192xf32>
    %jit3A_311 = arith.constant 8.192000e+03 : f32
    %broadcast_in_dim3A_312 = vector.broadcast %jit3A_311 : f32 to vector<128x8192xf32>
    %select_n3A_313 = arith.select %eq3A_310, %convert_element_type3A, %broadcast_in_dim3A_312 : vector<128x8192xi1>, vector<128x8192xf32>
    %reduce_min3A_314 = arith.constant dense<0x7F800000> : vector<128xf32>
    %reduce_min3A_315 = vector.multi_reduction <minimumf>, %select_n3A_313, %reduce_min3A_314 [1] : vector<128x8192xf32> to vector<128xf32>
    %add3A_316 = vector.broadcast %convert_element_type3A_58 : f32 to vector<128xf32>
    %add3A_317 = arith.addf %reduce_min3A_315, %add3A_316 : vector<128xf32>
    %convert_element_type3A_318 = arith.fptosi %add3A_317 : vector<128xf32> to vector<128xi32>
    %swap3A_319 = arith.constant 0 : index
    %swap3A_320 = arith.constant 0 : index
    %swap3A_321 = arith.constant 10 : index
    %swap3A_322 = vector.load %arg6[%swap3A_319, %swap3A_320, %swap3A_321] : memref<1x128x16xi32, #tpu.memory_space<vmem>>, vector<1x128x1xi32>
    %swap3A_323 = vector.shape_cast %swap3A_322 : vector<1x128x1xi32> to vector<128xi32>
    %swap3A_324 = vector.shape_cast %convert_element_type3A_318 : vector<128xi32> to vector<1x128x1xi32>
    tpu.vector_store %arg6[%swap3A_319, %swap3A_320, %swap3A_321], %swap3A_324 {strides = array<i32>} : memref<1x128x16xi32, #tpu.memory_space<vmem>>, vector<1x128x1xi32>,
    %broadcast_in_dim3A_325 = vector.shape_cast %reduce_min3A_315 : vector<128xf32> to vector<128x1xf32>
    %eq3A_326 = vector.broadcast %broadcast_in_dim3A_325 : vector<128x1xf32> to vector<128x8192xf32>
    %eq3A_327 = arith.cmpf oeq, %convert_element_type3A, %eq3A_326 : vector<128x8192xf32>
    %jit3A_328 = arith.constant 0x7F800000 : f32
    %broadcast_in_dim3A_329 = vector.broadcast %jit3A_328 : f32 to vector<128x8192xf32>
    %select_n3A_330 = arith.select %eq3A_327, %broadcast_in_dim3A_329, %select_n3A_305 : vector<128x8192xi1>, vector<128x8192xf32>
    %reduce_min3A_331 = arith.constant dense<0x7F800000> : vector<128xf32>
    %reduce_min3A_332 = vector.multi_reduction <minimumf>, %select_n3A_330, %reduce_min3A_331 [1] : vector<128x8192xf32> to vector<128xf32>
    %broadcast_in_dim3A_333 = vector.shape_cast %reduce_min3A_332 : vector<128xf32> to vector<128x1xf32>
    %eq3A_334 = vector.broadcast %broadcast_in_dim3A_333 : vector<128x1xf32> to vector<128x8192xf32>
    %eq3A_335 = arith.cmpf oeq, %select_n3A_330, %eq3A_334 : vector<128x8192xf32>
    %jit3A_336 = arith.constant 8.192000e+03 : f32
    %broadcast_in_dim3A_337 = vector.broadcast %jit3A_336 : f32 to vector<128x8192xf32>
    %select_n3A_338 = arith.select %eq3A_335, %convert_element_type3A, %broadcast_in_dim3A_337 : vector<128x8192xi1>, vector<128x8192xf32>
    %reduce_min3A_339 = arith.constant dense<0x7F800000> : vector<128xf32>
    %reduce_min3A_340 = vector.multi_reduction <minimumf>, %select_n3A_338, %reduce_min3A_339 [1] : vector<128x8192xf32> to vector<128xf32>
    %add3A_341 = vector.broadcast %convert_element_type3A_58 : f32 to vector<128xf32>
    %add3A_342 = arith.addf %reduce_min3A_340, %add3A_341 : vector<128xf32>
    %convert_element_type3A_343 = arith.fptosi %add3A_342 : vector<128xf32> to vector<128xi32>
    %swap3A_344 = arith.constant 0 : index
    %swap3A_345 = arith.constant 0 : index
    %swap3A_346 = arith.constant 11 : index
    %swap3A_347 = vector.load %arg6[%swap3A_344, %swap3A_345, %swap3A_346] : memref<1x128x16xi32, #tpu.memory_space<vmem>>, vector<1x128x1xi32>
    %swap3A_348 = vector.shape_cast %swap3A_347 : vector<1x128x1xi32> to vector<128xi32>
    %swap3A_349 = vector.shape_cast %convert_element_type3A_343 : vector<128xi32> to vector<1x128x1xi32>
    tpu.vector_store %arg6[%swap3A_344, %swap3A_345, %swap3A_346], %swap3A_349 {strides = array<i32>} : memref<1x128x16xi32, #tpu.memory_space<vmem>>, vector<1x128x1xi32>,
    %broadcast_in_dim3A_350 = vector.shape_cast %reduce_min3A_340 : vector<128xf32> to vector<128x1xf32>
    %eq3A_351 = vector.broadcast %broadcast_in_dim3A_350 : vector<128x1xf32> to vector<128x8192xf32>
    %eq3A_352 = arith.cmpf oeq, %convert_element_type3A, %eq3A_351 : vector<128x8192xf32>
    %jit3A_353 = arith.constant 0x7F800000 : f32
    %broadcast_in_dim3A_354 = vector.broadcast %jit3A_353 : f32 to vector<128x8192xf32>
    %select_n3A_355 = arith.select %eq3A_352, %broadcast_in_dim3A_354, %select_n3A_330 : vector<128x8192xi1>, vector<128x8192xf32>
    %reduce_min3A_356 = arith.constant dense<0x7F800000> : vector<128xf32>
    %reduce_min3A_357 = vector.multi_reduction <minimumf>, %select_n3A_355, %reduce_min3A_356 [1] : vector<128x8192xf32> to vector<128xf32>
    %broadcast_in_dim3A_358 = vector.shape_cast %reduce_min3A_357 : vector<128xf32> to vector<128x1xf32>
    %eq3A_359 = vector.broadcast %broadcast_in_dim3A_358 : vector<128x1xf32> to vector<128x8192xf32>
    %eq3A_360 = arith.cmpf oeq, %select_n3A_355, %eq3A_359 : vector<128x8192xf32>
    %jit3A_361 = arith.constant 8.192000e+03 : f32
    %broadcast_in_dim3A_362 = vector.broadcast %jit3A_361 : f32 to vector<128x8192xf32>
    %select_n3A_363 = arith.select %eq3A_360, %convert_element_type3A, %broadcast_in_dim3A_362 : vector<128x8192xi1>, vector<128x8192xf32>
    %reduce_min3A_364 = arith.constant dense<0x7F800000> : vector<128xf32>
    %reduce_min3A_365 = vector.multi_reduction <minimumf>, %select_n3A_363, %reduce_min3A_364 [1] : vector<128x8192xf32> to vector<128xf32>
    %add3A_366 = vector.broadcast %convert_element_type3A_58 : f32 to vector<128xf32>
    %add3A_367 = arith.addf %reduce_min3A_365, %add3A_366 : vector<128xf32>
    %convert_element_type3A_368 = arith.fptosi %add3A_367 : vector<128xf32> to vector<128xi32>
    %swap3A_369 = arith.constant 0 : index
    %swap3A_370 = arith.constant 0 : index
    %swap3A_371 = arith.constant 12 : index
    %swap3A_372 = vector.load %arg6[%swap3A_369, %swap3A_370, %swap3A_371] : memref<1x128x16xi32, #tpu.memory_space<vmem>>, vector<1x128x1xi32>
    %swap3A_373 = vector.shape_cast %swap3A_372 : vector<1x128x1xi32> to vector<128xi32>
    %swap3A_374 = vector.shape_cast %convert_element_type3A_368 : vector<128xi32> to vector<1x128x1xi32>
    tpu.vector_store %arg6[%swap3A_369, %swap3A_370, %swap3A_371], %swap3A_374 {strides = array<i32>} : memref<1x128x16xi32, #tpu.memory_space<vmem>>, vector<1x128x1xi32>,
    %broadcast_in_dim3A_375 = vector.shape_cast %reduce_min3A_365 : vector<128xf32> to vector<128x1xf32>
    %eq3A_376 = vector.broadcast %broadcast_in_dim3A_375 : vector<128x1xf32> to vector<128x8192xf32>
    %eq3A_377 = arith.cmpf oeq, %convert_element_type3A, %eq3A_376 : vector<128x8192xf32>
    %jit3A_378 = arith.constant 0x7F800000 : f32
    %broadcast_in_dim3A_379 = vector.broadcast %jit3A_378 : f32 to vector<128x8192xf32>
    %select_n3A_380 = arith.select %eq3A_377, %broadcast_in_dim3A_379, %select_n3A_355 : vector<128x8192xi1>, vector<128x8192xf32>
    %reduce_min3A_381 = arith.constant dense<0x7F800000> : vector<128xf32>
    %reduce_min3A_382 = vector.multi_reduction <minimumf>, %select_n3A_380, %reduce_min3A_381 [1] : vector<128x8192xf32> to vector<128xf32>
    %broadcast_in_dim3A_383 = vector.shape_cast %reduce_min3A_382 : vector<128xf32> to vector<128x1xf32>
    %eq3A_384 = vector.broadcast %broadcast_in_dim3A_383 : vector<128x1xf32> to vector<128x8192xf32>
    %eq3A_385 = arith.cmpf oeq, %select_n3A_380, %eq3A_384 : vector<128x8192xf32>
    %jit3A_386 = arith.constant 8.192000e+03 : f32
    %broadcast_in_dim3A_387 = vector.broadcast %jit3A_386 : f32 to vector<128x8192xf32>
    %select_n3A_388 = arith.select %eq3A_385, %convert_element_type3A, %broadcast_in_dim3A_387 : vector<128x8192xi1>, vector<128x8192xf32>
    %reduce_min3A_389 = arith.constant dense<0x7F800000> : vector<128xf32>
    %reduce_min3A_390 = vector.multi_reduction <minimumf>, %select_n3A_388, %reduce_min3A_389 [1] : vector<128x8192xf32> to vector<128xf32>
    %add3A_391 = vector.broadcast %convert_element_type3A_58 : f32 to vector<128xf32>
    %add3A_392 = arith.addf %reduce_min3A_390, %add3A_391 : vector<128xf32>
    %convert_element_type3A_393 = arith.fptosi %add3A_392 : vector<128xf32> to vector<128xi32>
    %swap3A_394 = arith.constant 0 : index
    %swap3A_395 = arith.constant 0 : index
    %swap3A_396 = arith.constant 13 : index
    %swap3A_397 = vector.load %arg6[%swap3A_394, %swap3A_395, %swap3A_396] : memref<1x128x16xi32, #tpu.memory_space<vmem>>, vector<1x128x1xi32>
    %swap3A_398 = vector.shape_cast %swap3A_397 : vector<1x128x1xi32> to vector<128xi32>
    %swap3A_399 = vector.shape_cast %convert_element_type3A_393 : vector<128xi32> to vector<1x128x1xi32>
    tpu.vector_store %arg6[%swap3A_394, %swap3A_395, %swap3A_396], %swap3A_399 {strides = array<i32>} : memref<1x128x16xi32, #tpu.memory_space<vmem>>, vector<1x128x1xi32>,
    %broadcast_in_dim3A_400 = vector.shape_cast %reduce_min3A_390 : vector<128xf32> to vector<128x1xf32>
    %eq3A_401 = vector.broadcast %broadcast_in_dim3A_400 : vector<128x1xf32> to vector<128x8192xf32>
    %eq3A_402 = arith.cmpf oeq, %convert_element_type3A, %eq3A_401 : vector<128x8192xf32>
    %jit3A_403 = arith.constant 0x7F800000 : f32
    %broadcast_in_dim3A_404 = vector.broadcast %jit3A_403 : f32 to vector<128x8192xf32>
    %select_n3A_405 = arith.select %eq3A_402, %broadcast_in_dim3A_404, %select_n3A_380 : vector<128x8192xi1>, vector<128x8192xf32>
    %reduce_min3A_406 = arith.constant dense<0x7F800000> : vector<128xf32>
    %reduce_min3A_407 = vector.multi_reduction <minimumf>, %select_n3A_405, %reduce_min3A_406 [1] : vector<128x8192xf32> to vector<128xf32>
    %broadcast_in_dim3A_408 = vector.shape_cast %reduce_min3A_407 : vector<128xf32> to vector<128x1xf32>
    %eq3A_409 = vector.broadcast %broadcast_in_dim3A_408 : vector<128x1xf32> to vector<128x8192xf32>
    %eq3A_410 = arith.cmpf oeq, %select_n3A_405, %eq3A_409 : vector<128x8192xf32>
    %jit3A_411 = arith.constant 8.192000e+03 : f32
    %broadcast_in_dim3A_412 = vector.broadcast %jit3A_411 : f32 to vector<128x8192xf32>
    %select_n3A_413 = arith.select %eq3A_410, %convert_element_type3A, %broadcast_in_dim3A_412 : vector<128x8192xi1>, vector<128x8192xf32>
    %reduce_min3A_414 = arith.constant dense<0x7F800000> : vector<128xf32>
    %reduce_min3A_415 = vector.multi_reduction <minimumf>, %select_n3A_413, %reduce_min3A_414 [1] : vector<128x8192xf32> to vector<128xf32>
    %add3A_416 = vector.broadcast %convert_element_type3A_58 : f32 to vector<128xf32>
    %add3A_417 = arith.addf %reduce_min3A_415, %add3A_416 : vector<128xf32>
    %convert_element_type3A_418 = arith.fptosi %add3A_417 : vector<128xf32> to vector<128xi32>
    %swap3A_419 = arith.constant 0 : index
    %swap3A_420 = arith.constant 0 : index
    %swap3A_421 = arith.constant 14 : index
    %swap3A_422 = vector.load %arg6[%swap3A_419, %swap3A_420, %swap3A_421] : memref<1x128x16xi32, #tpu.memory_space<vmem>>, vector<1x128x1xi32>
    %swap3A_423 = vector.shape_cast %swap3A_422 : vector<1x128x1xi32> to vector<128xi32>
    %swap3A_424 = vector.shape_cast %convert_element_type3A_418 : vector<128xi32> to vector<1x128x1xi32>
    tpu.vector_store %arg6[%swap3A_419, %swap3A_420, %swap3A_421], %swap3A_424 {strides = array<i32>} : memref<1x128x16xi32, #tpu.memory_space<vmem>>, vector<1x128x1xi32>,
    %broadcast_in_dim3A_425 = vector.shape_cast %reduce_min3A_415 : vector<128xf32> to vector<128x1xf32>
    %eq3A_426 = vector.broadcast %broadcast_in_dim3A_425 : vector<128x1xf32> to vector<128x8192xf32>
    %eq3A_427 = arith.cmpf oeq, %convert_element_type3A, %eq3A_426 : vector<128x8192xf32>
    %jit3A_428 = arith.constant 0x7F800000 : f32
    %broadcast_in_dim3A_429 = vector.broadcast %jit3A_428 : f32 to vector<128x8192xf32>
    %select_n3A_430 = arith.select %eq3A_427, %broadcast_in_dim3A_429, %select_n3A_405 : vector<128x8192xi1>, vector<128x8192xf32>
    %reduce_min3A_431 = arith.constant dense<0x7F800000> : vector<128xf32>
    %reduce_min3A_432 = vector.multi_reduction <minimumf>, %select_n3A_430, %reduce_min3A_431 [1] : vector<128x8192xf32> to vector<128xf32>
    %broadcast_in_dim3A_433 = vector.shape_cast %reduce_min3A_432 : vector<128xf32> to vector<128x1xf32>
    %eq3A_434 = vector.broadcast %broadcast_in_dim3A_433 : vector<128x1xf32> to vector<128x8192xf32>
    %eq3A_435 = arith.cmpf oeq, %select_n3A_430, %eq3A_434 : vector<128x8192xf32>
    %jit3A_436 = arith.constant 8.192000e+03 : f32
    %broadcast_in_dim3A_437 = vector.broadcast %jit3A_436 : f32 to vector<128x8192xf32>
    %select_n3A_438 = arith.select %eq3A_435, %convert_element_type3A, %broadcast_in_dim3A_437 : vector<128x8192xi1>, vector<128x8192xf32>
    %reduce_min3A_439 = arith.constant dense<0x7F800000> : vector<128xf32>
    %reduce_min3A_440 = vector.multi_reduction <minimumf>, %select_n3A_438, %reduce_min3A_439 [1] : vector<128x8192xf32> to vector<128xf32>
    %add3A_441 = vector.broadcast %convert_element_type3A_58 : f32 to vector<128xf32>
    %add3A_442 = arith.addf %reduce_min3A_440, %add3A_441 : vector<128xf32>
    %convert_element_type3A_443 = arith.fptosi %add3A_442 : vector<128xf32> to vector<128xi32>
    %swap3A_444 = arith.constant 0 : index
    %swap3A_445 = arith.constant 0 : index
    %swap3A_446 = arith.constant 15 : index
    %swap3A_447 = vector.load %arg6[%swap3A_444, %swap3A_445, %swap3A_446] : memref<1x128x16xi32, #tpu.memory_space<vmem>>, vector<1x128x1xi32>
    %swap3A_448 = vector.shape_cast %swap3A_447 : vector<1x128x1xi32> to vector<128xi32>
    %swap3A_449 = vector.shape_cast %convert_element_type3A_443 : vector<128xi32> to vector<1x128x1xi32>
    tpu.vector_store %arg6[%swap3A_444, %swap3A_445, %swap3A_446], %swap3A_449 {strides = array<i32>} : memref<1x128x16xi32, #tpu.memory_space<vmem>>, vector<1x128x1xi32>,
    return
  }
  func.func @transform_0(%arg0: i32, %arg1: i32) -> (i32, i32, i32) {
    %c0_i32 = arith.constant 0 : i32
    %c0_i32_0 = arith.constant 0 : i32
    %c0_i32_1 = arith.constant 0 : i32
    return %arg0, %c0_i32, %c0_i32_0 : i32, i32, i32
  }
  func.func @transform_1(%arg0: i32, %arg1: i32) -> (i32, i32, i32) {
    %c0_i32 = arith.constant 0 : i32
    %c0_i32_0 = arith.constant 0 : i32
    return %arg0, %arg1, %c0_i32 : i32, i32, i32
  }
  func.func @transform_2(%arg0: i32, %arg1: i32) -> (i32, i32, i32) {
    %c0_i32 = arith.constant 0 : i32
    %c0_i32_0 = arith.constant 0 : i32
    return %arg0, %arg1, %c0_i32 : i32, i32, i32
  }
  func.func @transform_3(%arg0: i32, %arg1: i32) -> (i32, i32) {
    %c0_i32 = arith.constant 0 : i32
    %c0_i32_0 = arith.constant 0 : i32
    %c0_i32_1 = arith.constant 0 : i32
    return %c0_i32, %c0_i32_0 : i32, i32
  }
  func.func @transform_4(%arg0: i32, %arg1: i32) -> (i32, i32, i32) {
    %c0_i32 = arith.constant 0 : i32
    %c0_i32_0 = arith.constant 0 : i32
    return %arg0, %arg1, %c0_i32 : i32, i32, i32
  }
}

module attributes {stable_mosaic.version = 14 : i64} {
  func.func @_counts_body(%arg0: i32, %arg1: i32, %arg2: memref<1x3x8192xf32, #tpu.memory_space<vmem>>, %arg3: memref<1x128x1xi32, #tpu.memory_space<vmem>>, %arg4: memref<1x128x1xf32, #tpu.memory_space<vmem>>, %arg5: memref<1x128x3xf32, #tpu.memory_space<vmem>>, %arg6: memref<1x1xf32, #tpu.memory_space<smem>>) attributes {dimension_semantics = [#tpu.dimension_semantics<arbitrary>, #tpu.dimension_semantics<arbitrary>], iteration_bounds = array<i64: 2, 16>, scalar_prefetch = 0 : i64, scratch_operands = 0 : i64, tpu.core_type = #tpu.core_type<tc>, window_params = [{transform_indices = @transform_0, window_bounds = array<i64: 1, 3, 8192>}, {transform_indices = @transform_1, window_bounds = array<i64: 1, 128, 1>}, {transform_indices = @transform_2, window_bounds = array<i64: 1, 128, 1>}, {transform_indices = @transform_3, window_bounds = array<i64: 1, 128, 3>}, {transform_indices = @transform_4, window_bounds = array<i64: 1, 1>}]} {
    %get3A = arith.constant 0 : index
    %get3A_0 = arith.constant 0 : index
    %get3A_1 = arith.constant 0 : index
    %get3A_2 = vector.load %arg2[%get3A, %get3A_0, %get3A_1] : memref<1x3x8192xf32, #tpu.memory_space<vmem>>, vector<1x3x8192xf32>
    %get3A_3 = vector.shape_cast %get3A_2 : vector<1x3x8192xf32> to vector<3x8192xf32>
    %get3A_4 = arith.constant 0 : index
    %get3A_5 = arith.constant 0 : index
    %get3A_6 = arith.constant 0 : index
    %get3A_7 = vector.load %arg3[%get3A_4, %get3A_5, %get3A_6] : memref<1x128x1xi32, #tpu.memory_space<vmem>>, vector<1x128x1xi32>
    %get3A_8 = vector.shape_cast %get3A_7 : vector<1x128x1xi32> to vector<128xi32>
    %iota3A = tpu.iota {dimensions = array<i32: 1>} : vector<128x8192xi32>
    %broadcast_in_dim3A = vector.shape_cast %get3A_8 : vector<128xi32> to vector<128x1xi32>
    %eq3A = vector.broadcast %broadcast_in_dim3A : vector<128x1xi32> to vector<128x8192xi32>
    %eq3A_9 = arith.cmpi eq, %iota3A, %eq3A : vector<128x8192xi32>
    %slice3A = vector.extract_strided_slice %get3A_3 {offsets = [0, 0], sizes = [1, 8192], strides = [1, 1]} : vector<3x8192xf32> to vector<1x8192xf32>
    %jit3A = arith.constant 0.000000e+00 : f32
    %broadcast_in_dim3A_10 = vector.shape_cast %slice3A : vector<1x8192xf32> to vector<1x8192xf32>
    %broadcast_in_dim3A_11 = vector.broadcast %broadcast_in_dim3A_10 : vector<1x8192xf32> to vector<128x8192xf32>
    %broadcast_in_dim3A_12 = vector.broadcast %jit3A : f32 to vector<128x8192xf32>
    %select_n3A = arith.select %eq3A_9, %broadcast_in_dim3A_11, %broadcast_in_dim3A_12 : vector<128x8192xi1>, vector<128x8192xf32>
    %reduce_sum3A = arith.constant dense<0.000000e+00> : vector<128xf32>
    %reduce_sum3A_13 = vector.multi_reduction <add>, %select_n3A, %reduce_sum3A [1] : vector<128x8192xf32> to vector<128xf32>
    %broadcast_in_dim3A_14 = vector.shape_cast %reduce_sum3A_13 : vector<128xf32> to vector<128x1xf32>
    %slice3A_15 = vector.extract_strided_slice %get3A_3 {offsets = [1, 0], sizes = [1, 8192], strides = [1, 1]} : vector<3x8192xf32> to vector<1x8192xf32>
    %jit3A_16 = arith.constant 0.000000e+00 : f32
    %broadcast_in_dim3A_17 = vector.shape_cast %slice3A_15 : vector<1x8192xf32> to vector<1x8192xf32>
    %broadcast_in_dim3A_18 = vector.broadcast %broadcast_in_dim3A_17 : vector<1x8192xf32> to vector<128x8192xf32>
    %broadcast_in_dim3A_19 = vector.broadcast %jit3A_16 : f32 to vector<128x8192xf32>
    %select_n3A_20 = arith.select %eq3A_9, %broadcast_in_dim3A_18, %broadcast_in_dim3A_19 : vector<128x8192xi1>, vector<128x8192xf32>
    %reduce_sum3A_21 = arith.constant dense<0.000000e+00> : vector<128xf32>
    %reduce_sum3A_22 = vector.multi_reduction <add>, %select_n3A_20, %reduce_sum3A_21 [1] : vector<128x8192xf32> to vector<128xf32>
    %broadcast_in_dim3A_23 = vector.shape_cast %reduce_sum3A_22 : vector<128xf32> to vector<128x1xf32>
    %slice3A_24 = vector.extract_strided_slice %get3A_3 {offsets = [2, 0], sizes = [1, 8192], strides = [1, 1]} : vector<3x8192xf32> to vector<1x8192xf32>
    %jit3A_25 = arith.constant 0.000000e+00 : f32
    %broadcast_in_dim3A_26 = vector.shape_cast %slice3A_24 : vector<1x8192xf32> to vector<1x8192xf32>
    %broadcast_in_dim3A_27 = vector.broadcast %broadcast_in_dim3A_26 : vector<1x8192xf32> to vector<128x8192xf32>
    %broadcast_in_dim3A_28 = vector.broadcast %jit3A_25 : f32 to vector<128x8192xf32>
    %select_n3A_29 = arith.select %eq3A_9, %broadcast_in_dim3A_27, %broadcast_in_dim3A_28 : vector<128x8192xi1>, vector<128x8192xf32>
    %reduce_sum3A_30 = arith.constant dense<0.000000e+00> : vector<128xf32>
    %reduce_sum3A_31 = vector.multi_reduction <add>, %select_n3A_29, %reduce_sum3A_30 [1] : vector<128x8192xf32> to vector<128xf32>
    %broadcast_in_dim3A_32 = vector.shape_cast %reduce_sum3A_31 : vector<128xf32> to vector<128x1xf32>
    %slice3A_33 = vector.extract_strided_slice %get3A_3 {offsets = [0, 0], sizes = [1, 8192], strides = [1, 1]} : vector<3x8192xf32> to vector<1x8192xf32>
    %slice3A_34 = vector.extract_strided_slice %get3A_3 {offsets = [1, 0], sizes = [1, 8192], strides = [1, 1]} : vector<3x8192xf32> to vector<1x8192xf32>
    %slice3A_35 = vector.extract_strided_slice %get3A_3 {offsets = [2, 0], sizes = [1, 8192], strides = [1, 1]} : vector<3x8192xf32> to vector<1x8192xf32>
    %sub3A = vector.broadcast %slice3A_33 : vector<1x8192xf32> to vector<128x8192xf32>
    %sub3A_36 = vector.broadcast %broadcast_in_dim3A_14 : vector<128x1xf32> to vector<128x8192xf32>
    %sub3A_37 = arith.subf %sub3A, %sub3A_36 : vector<128x8192xf32>
    %sub3A_38 = vector.broadcast %slice3A_34 : vector<1x8192xf32> to vector<128x8192xf32>
    %sub3A_39 = vector.broadcast %broadcast_in_dim3A_23 : vector<128x1xf32> to vector<128x8192xf32>
    %sub3A_40 = arith.subf %sub3A_38, %sub3A_39 : vector<128x8192xf32>
    %sub3A_41 = vector.broadcast %slice3A_35 : vector<1x8192xf32> to vector<128x8192xf32>
    %sub3A_42 = vector.broadcast %broadcast_in_dim3A_32 : vector<128x1xf32> to vector<128x8192xf32>
    %sub3A_43 = arith.subf %sub3A_41, %sub3A_42 : vector<128x8192xf32>
    %mul3A = arith.mulf %sub3A_37, %sub3A_37 : vector<128x8192xf32>
    %mul3A_44 = arith.mulf %sub3A_40, %sub3A_40 : vector<128x8192xf32>
    %add3A = arith.addf %mul3A, %mul3A_44 : vector<128x8192xf32>
    %mul3A_45 = arith.mulf %sub3A_43, %sub3A_43 : vector<128x8192xf32>
    %add3A_46 = arith.addf %add3A, %mul3A_45 : vector<128x8192xf32>
    %sqrt3A = math.sqrt %add3A_46 : vector<128x8192xf32>
    %lt3A = arith.constant 5.000000e-02 : f32
    %lt3A_47 = vector.broadcast %lt3A : f32 to vector<128x8192xf32>
    %lt3A_48 = arith.cmpf olt, %sqrt3A, %lt3A_47 : vector<128x8192xf32>
    %convert_element_type3A = arith.extui %lt3A_48 : vector<128x8192xi1> to vector<128x8192xi32>
    %convert_element_type3A_49 = arith.sitofp %convert_element_type3A : vector<128x8192xi32> to vector<128x8192xf32>
    %reduce_sum3A_50 = arith.constant dense<0.000000e+00> : vector<128xf32>
    %reduce_sum3A_51 = vector.multi_reduction <add>, %convert_element_type3A_49, %reduce_sum3A_50 [1] : vector<128x8192xf32> to vector<128xf32>
    %broadcast_in_dim3A_52 = vector.shape_cast %reduce_sum3A_51 : vector<128xf32> to vector<128x1xf32>
    %swap3A = arith.constant 0 : index
    %swap3A_53 = arith.constant 0 : index
    %swap3A_54 = arith.constant 0 : index
    %swap3A_55 = vector.load %arg4[%swap3A, %swap3A_53, %swap3A_54] : memref<1x128x1xf32, #tpu.memory_space<vmem>>, vector<1x128x1xf32>
    %swap3A_56 = vector.shape_cast %swap3A_55 : vector<1x128x1xf32> to vector<128x1xf32>
    %swap3A_57 = vector.shape_cast %broadcast_in_dim3A_52 : vector<128x1xf32> to vector<1x128x1xf32>
    tpu.vector_store %arg4[%swap3A, %swap3A_53, %swap3A_54], %swap3A_57 {strides = array<i32>} : memref<1x128x1xf32, #tpu.memory_space<vmem>>, vector<1x128x1xf32>,
    %swap3A_58 = arith.constant 0 : index
    %swap3A_59 = arith.constant 0 : index
    %swap3A_60 = arith.constant 0 : index
    %swap3A_61 = vector.load %arg5[%swap3A_58, %swap3A_59, %swap3A_60] : memref<1x128x3xf32, #tpu.memory_space<vmem>>, vector<1x128x1xf32>
    %swap3A_62 = vector.shape_cast %swap3A_61 : vector<1x128x1xf32> to vector<128x1xf32>
    %swap3A_63 = vector.shape_cast %broadcast_in_dim3A_14 : vector<128x1xf32> to vector<1x128x1xf32>
    tpu.vector_store %arg5[%swap3A_58, %swap3A_59, %swap3A_60], %swap3A_63 {strides = array<i32>} : memref<1x128x3xf32, #tpu.memory_space<vmem>>, vector<1x128x1xf32>,
    %swap3A_64 = arith.constant 0 : index
    %swap3A_65 = arith.constant 0 : index
    %swap3A_66 = arith.constant 1 : index
    %swap3A_67 = vector.load %arg5[%swap3A_64, %swap3A_65, %swap3A_66] : memref<1x128x3xf32, #tpu.memory_space<vmem>>, vector<1x128x1xf32>
    %swap3A_68 = vector.shape_cast %swap3A_67 : vector<1x128x1xf32> to vector<128x1xf32>
    %swap3A_69 = vector.shape_cast %broadcast_in_dim3A_23 : vector<128x1xf32> to vector<1x128x1xf32>
    tpu.vector_store %arg5[%swap3A_64, %swap3A_65, %swap3A_66], %swap3A_69 {strides = array<i32>} : memref<1x128x3xf32, #tpu.memory_space<vmem>>, vector<1x128x1xf32>,
    %swap3A_70 = arith.constant 0 : index
    %swap3A_71 = arith.constant 0 : index
    %swap3A_72 = arith.constant 2 : index
    %swap3A_73 = vector.load %arg5[%swap3A_70, %swap3A_71, %swap3A_72] : memref<1x128x3xf32, #tpu.memory_space<vmem>>, vector<1x128x1xf32>
    %swap3A_74 = vector.shape_cast %swap3A_73 : vector<1x128x1xf32> to vector<128x1xf32>
    %swap3A_75 = vector.shape_cast %broadcast_in_dim3A_32 : vector<128x1xf32> to vector<1x128x1xf32>
    tpu.vector_store %arg5[%swap3A_70, %swap3A_71, %swap3A_72], %swap3A_75 {strides = array<i32>} : memref<1x128x3xf32, #tpu.memory_space<vmem>>, vector<1x128x1xf32>,
    %div3A = arith.constant 5.2360876E-4 : f32
    %div3A_76 = vector.broadcast %div3A : f32 to vector<128x1xf32>
    %div3A_77 = arith.divf %broadcast_in_dim3A_52, %div3A_76 : vector<128x1xf32>
    %reduce_max3A = vector.shape_cast %div3A_77 : vector<128x1xf32> to vector<1x128x1xf32>
    %reduce_max3A_78 = arith.constant dense<0xFF800000> : vector<1xf32>
    %reduce_max3A_79 = vector.multi_reduction <maximumf>, %reduce_max3A, %reduce_max3A_78 [1, 2] : vector<1x128x1xf32> to vector<1xf32>
    %reduce_max3A_80 = vector.shape_cast %reduce_max3A_79 : vector<1xf32> to vector<1x1x1xf32>
    %reduce_max3A_81 = vector.extract %reduce_max3A_80[0, 0, 0] : f32 from vector<1x1x1xf32>
    %eq3A_82 = arith.constant 0 : i32
    %eq3A_83 = arith.cmpi eq, %arg0, %eq3A_82 : i32
    %eq3A_84 = arith.constant 0 : i32
    %eq3A_85 = arith.cmpi eq, %arg1, %eq3A_84 : i32
    %and3A = arith.andi %eq3A_83, %eq3A_85 : i1
    %convert_element_type3A_86 = arith.extui %and3A : i1 to i32
    %cond3A = arith.constant 0 : i32
    %cond3A_87 = arith.cmpi ne, %convert_element_type3A_86, %cond3A : i32
    scf.if %cond3A_87 {
      %swap3A_92 = arith.constant 0 : index
      %swap3A_93 = arith.constant 0 : index
      %swap3A_94 = memref.load %arg6[%swap3A_92, %swap3A_93] : memref<1x1xf32, #tpu.memory_space<smem>>
      memref.store %reduce_max3A_81, %arg6[%swap3A_92, %swap3A_93] : memref<1x1xf32, #tpu.memory_space<smem>>
    } else {
    }
    %not3A = arith.constant true
    %not3A_88 = arith.xori %and3A, %not3A : i1
    %convert_element_type3A_89 = arith.extui %not3A_88 : i1 to i32
    %cond3A_90 = arith.constant 0 : i32
    %cond3A_91 = arith.cmpi ne, %convert_element_type3A_89, %cond3A_90 : i32
    scf.if %cond3A_91 {
      %get3A_92 = arith.constant 0 : index
      %get3A_93 = arith.constant 0 : index
      %get3A_94 = memref.load %arg6[%get3A_92, %get3A_93] : memref<1x1xf32, #tpu.memory_space<smem>>
      %max3A = arith.maximumf %get3A_94, %reduce_max3A_81 : f32
      %swap3A_95 = arith.constant 0 : index
      %swap3A_96 = arith.constant 0 : index
      %swap3A_97 = memref.load %arg6[%swap3A_95, %swap3A_96] : memref<1x1xf32, #tpu.memory_space<smem>>
      memref.store %max3A, %arg6[%swap3A_95, %swap3A_96] : memref<1x1xf32, #tpu.memory_space<smem>>
    } else {
    }
    return
  }
  func.func @transform_0(%arg0: i32, %arg1: i32) -> (i32, i32, i32) {
    %c0_i32 = arith.constant 0 : i32
    %c0_i32_0 = arith.constant 0 : i32
    %c0_i32_1 = arith.constant 0 : i32
    return %arg0, %c0_i32, %c0_i32_0 : i32, i32, i32
  }
  func.func @transform_1(%arg0: i32, %arg1: i32) -> (i32, i32, i32) {
    %c0_i32 = arith.constant 0 : i32
    %c0_i32_0 = arith.constant 0 : i32
    return %arg0, %arg1, %c0_i32 : i32, i32, i32
  }
  func.func @transform_2(%arg0: i32, %arg1: i32) -> (i32, i32, i32) {
    %c0_i32 = arith.constant 0 : i32
    %c0_i32_0 = arith.constant 0 : i32
    return %arg0, %arg1, %c0_i32 : i32, i32, i32
  }
  func.func @transform_3(%arg0: i32, %arg1: i32) -> (i32, i32, i32) {
    %c0_i32 = arith.constant 0 : i32
    %c0_i32_0 = arith.constant 0 : i32
    return %arg0, %arg1, %c0_i32 : i32, i32, i32
  }
  func.func @transform_4(%arg0: i32, %arg1: i32) -> (i32, i32) {
    %c0_i32 = arith.constant 0 : i32
    %c0_i32_0 = arith.constant 0 : i32
    %c0_i32_1 = arith.constant 0 : i32
    return %c0_i32, %c0_i32_0 : i32, i32
  }
}

</mosaic_0001>

<sc_bundles>
// kernel: kernel.5.cloned.1.call-start
scs
__scs_entry_jumppad:
0x0: {  	(pc) =	sbr.rel $0x88, $3  }
0x1: {  	(tag) =	ssettag $0x0;
	lr =	simm.s32 $0x1  }
0x2: {  	[smem:$0x3F9E] =	sst lr;
	_ =	strace $0xD0000000  }
0x3: {  	_ = 	snop  }
0x4: {  	_ = 	snop  }
0x5: {  	_ = 	snop  }
0x6: {  	_ = 	snop  }
0x7: {  	_ = 	snop  }
__scs_overlays_trampoline_lowered:
0x8: {  	[smem:$0x3FAD] =	sst s0  }
0x9: {  	[smem:$0x3FAE] =	sst s1  }
0xa: {  	[smem:$0x3FAF] =	sst s2  }
0xb: {  	[smem:$0x3FB0] =	sst s3  }
0xc: {  	[smem:$0x3FB1] =	sst s4  }
0xd: {  	[smem:$0x3FB2] =	sst s5  }
0xe: {  	[smem:$0x3FB3] =	sst s6  }
0xf: {  	[smem:$0x3FB4] =	sst s7  }
0x10: {  	[smem:$0x3FB5] =	sst s8  }
0x11: {  	[smem:$0x3FB6] =	sst s9;
	s0 =	simm.s32 @!p0 $0x0  }
0x12: {  	s1 =	sld [smem:$0x3F9C];
	s0 =	simm.s32 @p0 $0x1  }
0x13: {  	[smem:$0x3FB7] =	sst s0;
	s0 =	simm.s32 @!p1 $0x0  }
0x14: {  	s2 =	sld [smem:$0x3F9B];
	s0 =	simm.s32 @p1 $0x1  }
0x15: {  	[smem:$0x3FB8] =	sst s0;
	s0 =	simm.s32 @!p2 $0x0  }
0x16: {  	s3 =	sld [smem:$0x3FDB];
	s0 =	simm.s32 @p2 $0x1  }
0x17: {  	s4 =	simm.s32 $0x1BF5;
	[smem:$0x3FBA] =	sst s0  }
0x18: {  	s0 =	sld [smem:$0x3F9D];
	_ =	swait.ge [sflag:s4], $0x0  }
0x19: {  	s7 =	sld [smem:$0x3F9E]  }
0x1a: {  	s8 =	sadd.s32 $0xFFFFE003, lr  }
0x1b: {  	s9 =	sadd.s32 $0xFFFFFEF7, lr;
	s5 =	simm.s32 $0xFFFFFFFF;
	p2 =	slt.u32 s8, $0xFFFFF086  }
0x1c: {  	p1 =	slt.u32 s9, $0xF7A;
	s5 =	simm.s32 @!p2 $0x0  }
0x1d: {  	s5 =	simm.s32 @p1 $0x1;
	p0 =	seq.s32 s7, s2  }
0x1e: {  	s7 =	smul.u32 @!p0 $0xF7A, s2;
	p2 =	seq.s32 @!p0 s5, $0x0  }
0x1f: {  	s9 =	smul.u32 $0xF7A, s1;
	s8 =	simm.s32 @!p0 $0x1BF5;
	p2 =	por !p2, p0  }
0x20: {  	[sflag:s8] =	ssyncset.s32 @!p0 $0xFFFFF086;
	s6 =	sadd.s32 @!p0 s3, s7;
	s7 =	simm.s32 @!p0 $0x108  }
0x21: {  	s3 =	sadd.s32 s3, s9;
	s6 =	sadd.s32 @!p0 $0x88, s6;
	s7 =	simm.s32 @p2 $0x1082  }
0x22: {  	[simem:s7], [sflag:s8] =	dma.local @!p0 [hbm:s6], $0xF7A  }
0x23: {  	s9 =	sor.u32 $0xD0000000, s2;
	s6 =	simm.s32 $0x108;
	_ =	swait.ge @!p0 [sflag:s8], $0x0  }
0x24: {  	s3 =	sadd.s32 $0x88, s3;
	s6 =	simm.s32 @!p1 $0x1082;
	[sflag:s4] =	ssyncset.s32 $0xFFFFF086  }
0x25: {  	[simem:s6], [sflag:s4] =	dma.local [hbm:s3], $0xF7A  }
0x26: {  	[smem:$0x3F9E] =	sst s1;
	(tag) =	ssettag s2;
	_ =	strace s9  }
0x27: {  	s1 =	sld [smem:$0x3FAE]  }
0x28: {  	s2 =	sld [smem:$0x3FAF]  }
0x29: {  	s4 =	sld [smem:$0x3FB1]  }
0x2a: {  	p0 =	seq.s32 s5, $0x0;
	s5 =	sld [smem:$0x3FB2]  }
0x2b: {  	s6 =	sld [smem:$0x3FB3]  }
0x2c: {  	s7 =	sld [smem:$0x3FB4]  }
0x2d: {  	s3 =	simm.s32 $0x108;
	s8 =	sld [smem:$0x3FB5]  }
0x2e: {  	s3 =	simm.s32 @!p0 $0x1082;
	s9 =	sld [smem:$0x3FB6]  }
0x2f: {  	lr =	sadd.s32 s0, s3;
	s0 =	sld [smem:$0x3FAD]  }
0x30: {  	s3 =	sld [smem:$0x3FB0]  }
0x31: {  	[smem:$0x3FB9] =	sst s10  }
0x32: {  	s10 =	sld [smem:$0x3FB7];
	_ =	sdelay $0x3  }
0x33: {  	p0 =	seq.s32 s10, $0x1;
	s10 =	sld [smem:$0x3FB9];
	_ =	sdelay $0x3  }
0x34: {  	[smem:$0x3FB9] =	sst s10  }
0x35: {  	s10 =	sld [smem:$0x3FB8];
	_ =	sdelay $0x3  }
0x36: {  	p1 =	seq.s32 s10, $0x1;
	s10 =	sld [smem:$0x3FB9];
	_ =	sdelay $0x3  }
0x37: {  	[smem:$0x3FB9] =	sst s10  }
0x38: {  	s10 =	sld [smem:$0x3FBA]  }
0x39: {  	_ = 	snop;
	(pc) =	sbr.ind lr, $3  }
0x3a: {  	_ = 	snop  }
0x3b: {  	_ = 	snop  }
0x3c: {  	p2 =	seq.s32 s10, $0x1;
	s10 =	sld [smem:$0x3FB9]  }
0x3d: {  	_ =	shalt  }
0x3e: {  	_ =	shalt  }
0x3f: {  	_ =	shalt  }
0x40: {  	_ =	shalt  }
0x41: {  	_ =	shalt  }
0x42: {  	_ =	shalt  }
0x43: {  	_ =	shalt  }
0x44: {  	_ =	shalt  }
0x45: {  	_ =	shalt  }
0x46: {  	_ =	shalt  }
0x47: {  	_ =	shalt  }
0x48: {  	_ =	shalt  }
0x49: {  	_ =	shalt  }
0x4a: {  	_ =	shalt  }
0x4b: {  	_ =	shalt  }
0x4c: {  	_ =	shalt  }
0x4d: {  	_ =	shalt  }
0x4e: {  	_ =	shalt  }
0x4f: {  	_ =	shalt  }
0x50: {  	_ =	shalt  }
0x51: {  	_ =	shalt  }
0x52: {  	_ =	shalt  }
0x53: {  	_ =	shalt  }
0x54: {  	_ =	shalt  }
0x55: {  	_ =	shalt  }
0x56: {  	_ =	shalt  }
0x57: {  	_ =	shalt  }
0x58: {  	_ =	shalt  }
0x59: {  	_ =	shalt  }
0x5a: {  	_ =	shalt  }
0x5b: {  	_ =	shalt  }
0x5c: {  	_ =	shalt  }
0x5d: {  	_ =	shalt  }
0x5e: {  	_ =	shalt  }
0x5f: {  	_ =	shalt  }
0x60: {  	_ =	shalt  }
0x61: {  	_ =	shalt  }
0x62: {  	_ =	shalt  }
0x63: {  	_ =	shalt  }
0x64: {  	_ =	shalt  }
0x65: {  	_ =	shalt  }
0x66: {  	_ =	shalt  }
0x67: {  	_ =	shalt  }
0x68: {  	_ =	shalt  }
0x69: {  	_ =	shalt  }
0x6a: {  	_ =	shalt  }
0x6b: {  	_ =	shalt  }
0x6c: {  	_ =	shalt  }
0x6d: {  	_ =	shalt  }
0x6e: {  	_ =	shalt  }
0x6f: {  	_ =	shalt  }
0x70: {  	_ =	shalt  }
0x71: {  	_ =	shalt  }
0x72: {  	_ =	shalt  }
0x73: {  	_ =	shalt  }
0x74: {  	_ =	shalt  }
0x75: {  	_ =	shalt  }
0x76: {  	_ =	shalt  }
0x77: {  	_ =	shalt  }
0x78: {  	_ =	shalt  }
0x79: {  	_ =	shalt  }
0x7a: {  	_ =	shalt  }
0x7b: {  	_ =	shalt  }
0x7c: {  	_ =	shalt  }
0x7d: {  	_ =	shalt  }
0x7e: {  	_ =	shalt  }
0x7f: {  	_ =	shalt  }
0x80: {  	_ =	shalt  }
0x81: {  	_ =	shalt  }
0x82: {  	_ =	shalt  }
0x83: {  	_ =	shalt  }
0x84: {  	_ =	shalt  }
0x85: {  	_ =	shalt  }
0x86: {  	_ =	shalt  }
0x87: {  	_ =	shalt  }
.Lfunc_end0:
.L_simem_size_0:
called_computation_lowered:
.L_overlay_start_0:
0x88: {  	s2 =	sld [smem:$0x3FD9]  }
0x89: {  	s3 =	sld [smem:$0x3FFE];
	_ =	sdelay $0x1  }
0x8a: {  	s1 =	srdreg.scid  }
0x8b: {  	s0 =	sand.u32 $0x1, s1  }
0x8c: {  	s17 =	sshll.u32 s0, $0xA;
	s2 =	sadd.s32 s3, s2  }
0x8d: {  	s2 =	sadd.s32 s2, s17  }
0x8e: {  	[smem:$0x3FC5] =	sst s2  }
0x8f: {  	_ = 	snop  }
0x90: {  	s2 =	sld [smem:$0x3FD0];
	(tm) =	ssettm $0x1  }
0x91: {  	s18 =	sld [smem:$0x3FFB];
	_ =	sdelay $0x3  }
0x92: {  	_ =	strace s18  }
0x93: {  	s3 =	sld [smem:$0x3FFC];
	_ =	sdelay $0x3  }
0x94: {  	_ =	strace s3  }
0x95: {  	s3 =	sld [smem:$0x3FFD];
	_ =	sdelay $0x3  }
0x96: {  	_ =	strace s3  }
0x97: {  	_ =	strace $0x8FFFFFFF  }
0x98: {  	s19 =	sld [smem:$0x3FDB];
	_ =	sdelay $0x1  }
0x99: {  	s4 =	simm.s32 $_scs_section_size  }
0x9a: {  	s5 =	simm.s32 $_size__tile_overlayer_lowered;
	s6 =	simm.s32 $_tile_overlayer_lowered  }
0x9b: {  	s22 =	simm.s32 $0x1BFF;
	s21 =	sshll.u32 s6, $0x1;
	s3 =	sadd.s32 s4, s19  }
0x9c: {  	s7 =	simm.s32 $0x0;
	s20 =	sshll.u32 s5, $0x1;
	s5 =	sadd.s32 s21, s3  }
0x9d: {  	[timem:s7], [sflag:s22] =	dma.local [hbm:s5], s20  }
0x9e: {  	_ =	swait.ge [sflag:s22], s20  }
0x9f: {  	s4 =	ssub.s32 $0x0, s20;
	[sflag:s22] =	ssyncset.done $0x0  }
0xa0: {  	[sflag:s22] =	ssyncadd.s32 s4;
	_ =	sdelay $0x1  }
0xa1: {  	s23 =	simm.s32 $0x1B8B  }
0xa2: {  	_ =	swait.ge [sflag:s23], $0x1  }
0xa3: {  	[sflag:s23] =	ssyncset.done $0x0  }
0xa4: {  	s25 =	simm.s32 $0x1B8E;
	s24 =	sld [smem:$0x3FFE];
	[sflag:s23] =	ssyncadd.s32 $0xFFFFFFFF  }
0xa5: {  	s26 =	simm.s32 $execute0_lowered;
	[smem:$0x3FD2] =	sst s25  }
0xa6: {  	s5 =	sshll.u32 s26, $0x1;
	_ =	strace $0x80000046;
	[dreg:$0x1] =	wrdreg $0xFFFFFFFF  }
0xa7: {  	s28 =	simm.s32 $_size_execute0_lowered;
	s3 =	sadd.s32 s3, s5;
	[dreg:$0x0] =	wrdreg $0x0  }
0xa8: {  	s5 =	sshll.u32 s28, $0x1;
	[dreg:$0x2] =	wrdreg s3  }
0xa9: {  	[dreg:$0x3] =	wrdreg s5  }
0xaa: {  	[dreg:$0x4] =	wrdreg $0xC0  }
0xab: {  	_ =	task [dreg:s7], $0x5FFFF  }
0xac: {  	[dreg:$0x1] =	wrdreg $0xFFFFFFFF  }
0xad: {  	[dreg:$0x0] =	wrdreg $0x60  }
0xae: {  	[dreg:$0x2] =	wrdreg s24  }
0xaf: {  	[dreg:$0x3] =	wrdreg s2  }
0xb0: {  	[dreg:$0x4] =	wrdreg $0x9  }
0xb1: {  	_ =	task.clear_ibuf [dreg:s7], $0x5FFFF;
	_ =	strace $0x90000046  }
0xb2: {  	s29 =	simm.s32 $0x9;
	_ =	strace $0x80000048  }
0xb3: {  	_ =	swait.ge [sflag:s29], $0x1  }
0xb4: {  	[sflag:s29] =	ssyncadd.s32 $0xFFFFFFFF  }
0xb5: {  	_ =	strace $0x90000048  }
0xb6: {  	_ =	sfence  }
0xb7: {  	s30 =	sld [smem:$0x0];
	_ =	sdelay $0x2  }
0xb8: {  	s31 =	sshll.u32 s1, $0xD;
	s1 =	sshrl.u32 s1, $0x2  }
0xb9: {  	s3 =	sand.u32 $0x4000, s31;
	s1 =	sadd.s32 s1, s30  }
0xba: {  	s0 =	sor.u32 s3, s0;
	s1 =	sshll.u32 s1, $0x11  }
0xbb: {  	s0 =	sor.u32 s1, s0  }
0xbc: {  	s0 =	sadd.s32 $0x8F2B, s0  }
0xbd: {  	[sflag:s0] =	ssyncadd.remote.s32 $0x1  }
0xbe: {  	_ =	sfence.sel $0xFFFF  }
0xbf: {  	[dreg:$0x0] =	wrdreg $0xFFFFFFFF;
	(pc) =	sbr.abs _section_cstart, $3  }
0xc0: {  	[dreg:$0x1] =	wrdreg $0xFFFFFFFF  }
0xc1: {  	_ =	task.clear_ibuf [dreg:s7], $0x2FFFF;
	_ =	strace $0x9FFFFFFF  }
0xc2: {  	(tm) =	ssettm $0x7FFFFFFF  }
0xc3: {  	_ =	shalt  }
tec
execute0_lowered:
.L_overlay_start_1:
0x0: {  	(tag) =	ssettag $0x1  }
0x1: {  	s1 =	srdreg.scid  }
0x2: {  	s5 =	rddreg [dreg:$0x0];
	s0 =	stileid.u32;
	s15 =	sand.u32 $0x1, s1  }
0x3: {  	s14 =	rddreg [dreg:$0x1];
	s3 =	sshll.u32 s0, $0xC;
	s4 =	sshll.u32 s15, $0xB  }
0x4: {  	s2 =	simm.s32 $0x0;
	s1 =	rddreg [dreg:$0x2];
	s13 =	sor.u32 s4, s3  }
0x5: {  	[smem:$0x7FF] =	sst s2;
	s16 =	sadd.s32 $0x800, s5;
	s3 =	sshrl.u32 s13, $0x3  }
0x6: {  	_ =	strace $0x80000047;
	s4 =	sadd.s32 s16, s3;
	s3 =	simm.s32 $0x2  }
0x7: {  	[tilespmem:s2], [sflag:$0x2] =	stream.linear.gather [hbm4b:s4+s2], $0x200, $0x38;
	[tilespmem:$0x8200] =	vst v63  }
0x8: {  	_ =	swait.ge [sflag:s3], $0x200  }
0x9: {  	s6 =	simm.s32 $0x200;
	[sflag:s3] =	ssyncset.done $0x0  }
0xa: {  	s7 =	simm.s32 $0x1;
	s5 =	sadd.s32 $0x2800, s5;
	[sflag:s3] =	ssyncadd.s32 $0xFFFFFE00  }
0xb: {  	[tilespmem:s6], [sflag:$0x1] =	stream.indirect.gather [hbm4b:s5+s6], $0x40, s2, s6, $0xb8;
	[tilespmem:$0x8200] =	vst v63  }
0xc: {  	_ =	swait.ge [sflag:s7], $0x8000  }
0xd: {  	s8 =	sshll.u32 s13, $0x3;
	[sflag:s7] =	ssyncset.done $0x0  }
0xe: {  	s8 =	sadd.s32 s14, s8;
	[sflag:s7] =	ssyncadd.s32 $0xFFFF8000  }
0xf: {  	[hbm4b:s8+s2] =	stream.linear.scatter [tilespmem:s6], [sflag:$0x2], $0x8000, $0x38;
	[tilespmem:$0x8200] =	vst v63  }
0x10: {  	s10 =	sor.u32 $0x200, s13;
	_ =	swait.ge [sflag:s3], $0x8000  }
0x11: {  	s9 =	sshrl.u32 s10, $0x3;
	[sflag:s3] =	ssyncset.done $0x0  }
0x12: {  	s9 =	sadd.s32 s16, s9;
	[sflag:s3] =	ssyncadd.s32 $0xFFFF8000  }
0x13: {  	[tilespmem:s2], [sflag:$0x2] =	stream.linear.gather [hbm4b:s9+s2], $0x200, $0x38;
	[tilespmem:$0x8200] =	vst v63  }
0x14: {  	_ =	swait.ge [sflag:s3], $0x200  }
0x15: {  	[sflag:s3] =	ssyncset.done $0x0  }
0x16: {  	[sflag:s3] =	ssyncadd.s32 $0xFFFFFE00  }
0x17: {  	[tilespmem:s6], [sflag:$0x1] =	stream.indirect.gather [hbm4b:s5+s6], $0x40, s2, s6, $0xb8;
	[tilespmem:$0x8200] =	vst v63  }
0x18: {  	_ =	swait.ge [sflag:s7], $0x8000  }
0x19: {  	s10 =	sshll.u32 s10, $0x3;
	[sflag:s7] =	ssyncset.done $0x0  }
0x1a: {  	s10 =	sadd.s32 s14, s10;
	[sflag:s7] =	ssyncadd.s32 $0xFFFF8000  }
0x1b: {  	[hbm4b:s10+s2] =	stream.linear.scatter [tilespmem:s6], [sflag:$0x2], $0x8000, $0x38;
	[tilespmem:$0x8200] =	vst v63  }
0x1c: {  	s12 =	sor.u32 $0x400, s13;
	_ =	swait.ge [sflag:s3], $0x8000  }
0x1d: {  	s11 =	sshrl.u32 s12, $0x3;
	[sflag:s3] =	ssyncset.done $0x0  }
0x1e: {  	s11 =	sadd.s32 s16, s11;
	[sflag:s3] =	ssyncadd.s32 $0xFFFF8000  }
0x1f: {  	[tilespmem:s2], [sflag:$0x2] =	stream.linear.gather [hbm4b:s11+s2], $0x200, $0x38;
	[tilespmem:$0x8200] =	vst v63  }
0x20: {  	_ =	swait.ge [sflag:s3], $0x200  }
0x21: {  	[sflag:s3] =	ssyncset.done $0x0  }
0x22: {  	[sflag:s3] =	ssyncadd.s32 $0xFFFFFE00  }
0x23: {  	[tilespmem:s6], [sflag:$0x1] =	stream.indirect.gather [hbm4b:s5+s6], $0x40, s2, s6, $0xb8;
	[tilespmem:$0x8200] =	vst v63  }
0x24: {  	_ =	swait.ge [sflag:s7], $0x8000  }
0x25: {  	s12 =	sshll.u32 s12, $0x3;
	[sflag:s7] =	ssyncset.done $0x0  }
0x26: {  	s12 =	sadd.s32 s14, s12;
	[sflag:s7] =	ssyncadd.s32 $0xFFFF8000  }
0x27: {  	[hbm4b:s12+s2] =	stream.linear.scatter [tilespmem:s6], [sflag:$0x2], $0x8000, $0x38;
	[tilespmem:$0x8200] =	vst v63  }
0x28: {  	s17 =	sor.u32 $0x600, s13;
	_ =	swait.ge [sflag:s3], $0x8000  }
0x29: {  	s13 =	sshrl.u32 s17, $0x3;
	[sflag:s3] =	ssyncset.done $0x0  }
0x2a: {  	s15 =	ssub.s32 $0x2, s15;
	s13 =	sadd.s32 s16, s13;
	[sflag:s3] =	ssyncadd.s32 $0xFFFF8000  }
0x2b: {  	[tilespmem:s2], [sflag:$0x2] =	stream.linear.gather [hbm4b:s13+s2], $0x200, $0x38;
	[tilespmem:$0x8200] =	vst v63  }
0x2c: {  	s30 =	sshrl.u32 s15, $0x1;
	_ =	swait.ge [sflag:s3], $0x200  }
0x2d: {  	s15 =	ssub.s32 s15, s30;
	[sflag:s3] =	ssyncset.done $0x0  }
0x2e: {  	s15 =	smax.u32 s15, $0x1;
	[sflag:s3] =	ssyncadd.s32 $0xFFFFFE00  }
0x2f: {  	[tilespmem:s6], [sflag:$0x1] =	stream.indirect.gather [hbm4b:s5+s6], $0x40, s2, s6, $0xb8;
	[tilespmem:$0x8200] =	vst v63  }
0x30: {  	p0 =	sne.s32 s15, $0x1;
	_ =	swait.ge [sflag:s7], $0x8000  }
.Ltmp0:
0x31: {  	s31 =	sshll.u32 s17, $0x3;
	[sflag:s7] =	ssyncset.done $0x0;
	(pc) =	sbr.rel @!p0 .LBB2_2-.Ltmp0, $4  }
0x32: {  	s14 =	sadd.s32 s14, s31;
	[sflag:s7] =	ssyncadd.s32 $0xFFFF8000  }
0x33: {  	[hbm4b:s14+s2] =	stream.linear.scatter [tilespmem:s6], [sflag:$0x2], $0x8000, $0x38;
	[tilespmem:$0x8200] =	vst v63  }
0x34: {  	_ =	swait.ge [sflag:s3], $0x8000  }
0x35: {  	s15 =	sadd.s32 $0xFFFFFFFF, s15;
	[sflag:s3] =	ssyncset.done $0x0  }
.LBB2_1:
0x36: {  	p0 =	sne.s32 s15, $0x1;
	s15 =	sadd.s32 $0xFFFFFFFF, s15;
	[sflag:s3] =	ssyncadd.s32 $0xFFFF8000  }
0x37: {  	[tilespmem:s2], [sflag:$0x2] =	stream.linear.gather [hbm4b:s4+s2], $0x200, $0x38;
	[tilespmem:$0x8200] =	vst v63  }
0x38: {  	_ =	swait.ge [sflag:s3], $0x200  }
0x39: {  	[sflag:s3] =	ssyncset.done $0x0  }
0x3a: {  	[sflag:s3] =	ssyncadd.s32 $0xFFFFFE00  }
0x3b: {  	[tilespmem:s6], [sflag:$0x1] =	stream.indirect.gather [hbm4b:s5+s6], $0x40, s2, s6, $0xb8;
	[tilespmem:$0x8200] =	vst v63  }
0x3c: {  	_ =	swait.ge [sflag:s7], $0x8000  }
0x3d: {  	[sflag:s7] =	ssyncset.done $0x0  }
0x3e: {  	[sflag:s7] =	ssyncadd.s32 $0xFFFF8000  }
0x3f: {  	[hbm4b:s8+s2] =	stream.linear.scatter [tilespmem:s6], [sflag:$0x2], $0x8000, $0x38;
	[tilespmem:$0x8200] =	vst v63  }
0x40: {  	_ =	swait.ge [sflag:s3], $0x8000  }
0x41: {  	[sflag:s3] =	ssyncset.done $0x0  }
0x42: {  	[sflag:s3] =	ssyncadd.s32 $0xFFFF8000  }
0x43: {  	[tilespmem:s2], [sflag:$0x2] =	stream.linear.gather [hbm4b:s9+s2], $0x200, $0x38;
	[tilespmem:$0x8200] =	vst v63  }
0x44: {  	_ =	swait.ge [sflag:s3], $0x200  }
0x45: {  	[sflag:s3] =	ssyncset.done $0x0  }
0x46: {  	[sflag:s3] =	ssyncadd.s32 $0xFFFFFE00  }
0x47: {  	[tilespmem:s6], [sflag:$0x1] =	stream.indirect.gather [hbm4b:s5+s6], $0x40, s2, s6, $0xb8;
	[tilespmem:$0x8200] =	vst v63  }
0x48: {  	_ =	swait.ge [sflag:s7], $0x8000  }
0x49: {  	[sflag:s7] =	ssyncset.done $0x0  }
0x4a: {  	[sflag:s7] =	ssyncadd.s32 $0xFFFF8000  }
0x4b: {  	[hbm4b:s10+s2] =	stream.linear.scatter [tilespmem:s6], [sflag:$0x2], $0x8000, $0x38;
	[tilespmem:$0x8200] =	vst v63  }
0x4c: {  	_ =	swait.ge [sflag:s3], $0x8000  }
0x4d: {  	[sflag:s3] =	ssyncset.done $0x0  }
0x4e: {  	[sflag:s3] =	ssyncadd.s32 $0xFFFF8000  }
0x4f: {  	[tilespmem:s2], [sflag:$0x2] =	stream.linear.gather [hbm4b:s11+s2], $0x200, $0x38;
	[tilespmem:$0x8200] =	vst v63  }
0x50: {  	_ =	swait.ge [sflag:s3], $0x200  }
0x51: {  	[sflag:s3] =	ssyncset.done $0x0  }
0x52: {  	[sflag:s3] =	ssyncadd.s32 $0xFFFFFE00  }
0x53: {  	[tilespmem:s6], [sflag:$0x1] =	stream.indirect.gather [hbm4b:s5+s6], $0x40, s2, s6, $0xb8;
	[tilespmem:$0x8200] =	vst v63  }
0x54: {  	_ =	swait.ge [sflag:s7], $0x8000  }
0x55: {  	[sflag:s7] =	ssyncset.done $0x0  }
0x56: {  	[sflag:s7] =	ssyncadd.s32 $0xFFFF8000  }
0x57: {  	[hbm4b:s12+s2] =	stream.linear.scatter [tilespmem:s6], [sflag:$0x2], $0x8000, $0x38;
	[tilespmem:$0x8200] =	vst v63  }
0x58: {  	_ =	swait.ge [sflag:s3], $0x8000  }
0x59: {  	[sflag:s3] =	ssyncset.done $0x0  }
0x5a: {  	[sflag:s3] =	ssyncadd.s32 $0xFFFF8000  }
0x5b: {  	[tilespmem:s2], [sflag:$0x2] =	stream.linear.gather [hbm4b:s13+s2], $0x200, $0x38;
	[tilespmem:$0x8200] =	vst v63  }
0x5c: {  	_ =	swait.ge [sflag:s3], $0x200  }
0x5d: {  	[sflag:s3] =	ssyncset.done $0x0  }
0x5e: {  	[sflag:s3] =	ssyncadd.s32 $0xFFFFFE00  }
0x5f: {  	[tilespmem:s6], [sflag:$0x1] =	stream.indirect.gather [hbm4b:s5+s6], $0x40, s2, s6, $0xb8;
	[tilespmem:$0x8200] =	vst v63  }
0x60: {  	_ =	swait.ge [sflag:s7], $0x8000  }
.Ltmp1:
0x61: {  	[sflag:s7] =	ssyncset.done $0x0;
	(pc) =	sbr.rel @p0 .LBB2_1-.Ltmp1, $4  }
0x62: {  	[sflag:s7] =	ssyncadd.s32 $0xFFFF8000  }
0x63: {  	[hbm4b:s14+s2] =	stream.linear.scatter [tilespmem:s6], [sflag:$0x2], $0x8000, $0x38;
	[tilespmem:$0x8200] =	vst v63  }
0x64: {  	_ =	swait.ge [sflag:s3], $0x8000  }
0x65: {  	[sflag:s3] =	ssyncset.done $0x0  }
.LBB2_2:
0x66: {  	[sflag:s3] =	ssyncadd.s32 $0xFFFF8000  }
0x67: {  	_ =	sfence.sel $0x180000  }
0x68: {  	[bflag:$0x0] =	sbarrier.arrive $0xFFFF  }
0x69: {  	p0 =	sne.s32 s0, $0x0;
	_ =	strace $0x90000047  }
0x6a: {  	s0 =	sadd.s32 @!p0 $0x100000, s1;
	[bflag:$0x2] =	sbarrier.arrive $0xFFFF  }
0x6b: {  	[sflag:s0] =	ssyncadd.tile.s32 @!p0 $0x1;
	_ =	shalt  }
.Lfunc_end2:
_tile_overlayer_lowered:
.L_overlay_start_2:
0x6c: {  	(tag) =	ssettag $0x2  }
0x6d: {  	s0 =	rddreg [dreg:$0x0];
	s2 =	stileid.u32  }
0x6e: {  	s1 =	rddreg [dreg:$0x1];
	p0 =	sne.s32 s2, $0x0  }
0x6f: {  	s3 =	rddreg [dreg:$0x2];
	[bflag:$0x3] =	sbarrier.arrive $0xFFFF;
	s2 =	simm.s32 @!p0 $0x1C02  }
0x70: {  	[timem:s3], [sflag:s2] =	dma.local @!p0 [hbm:s0], s1  }
0x71: {  	s0 =	simm.s32 @!p0 $0x2  }
0x72: {  	_ =	swait.ge @!p0 [sflag:s0], s1  }
0x73: {  	s1 =	ssub.s32 @!p0 $0x0, s1;
	[sflag:s0] =	ssyncset.done @!p0 $0x0  }
0x74: {  	[sflag:s0] =	ssyncadd.s32 @!p0 s1  }
0x75: {  	[bflag:$0x3] =	sbarrier.arrive $0xFFFF  }
0x76: {  	_ =	shalt  }

</sc_bundles>
